<compile_context>
chip_gen: v7x
topology: tpu7x:2x2x1
jax: 0.10.2.dev20260603
libtpu: 0.0.44.dev20260713+nightly
codegen_flags: <defaults>
</compile_context>

<pallas_src>
import functools

import jax
import jax.numpy as jnp
from jax import lax
from jax.experimental import pallas as pl
from jax.experimental.pallas import tpu as pltpu
from jax.experimental.pallas import tpu_sc as plsc

_N = 2048
_P = 131072
_B = 8
_SEG = _P // _B
_NC = 2
_NS = 16
_L = 16
_NW = _NC * _NS
_PPW = _P // _NW
_VECS = _PPW // _L
_SEG_PER_CORE = _B // _NC
_W_PER_SEG = _SEG // _PPW


def _tc_table_body(r_ref, xyz_ref, sW1, sb1, sW2, sb2, sW3, sb3,
                   eW1, eb1, eW2, eb2, eW3, eb3, out_ref):
    r = r_ref[...]
    h = jnp.tanh(jnp.dot(r, sW1[...], preferred_element_type=jnp.float32) + sb1[...][None, :])
    h = jnp.tanh(jnp.dot(h, sW2[...], preferred_element_type=jnp.float32) + sb2[...][None, :])
    s_out = jnp.dot(h, sW3[...], preferred_element_type=jnp.float32) + sb3[...][None, :]
    ssig = jnp.sqrt(4.0 + 10.0 * s_out * s_out)

    g = jnp.tanh(jnp.dot(r, eW1[...], preferred_element_type=jnp.float32) + eb1[...][None, :])
    g = jnp.tanh(jnp.dot(g, eW2[...], preferred_element_type=jnp.float32) + eb2[...][None, :])
    e_out = jnp.dot(g, eW3[...], preferred_element_type=jnp.float32) + eb3[...][None, :]
    seps = jnp.sqrt(0.1) * jnp.abs(e_out)

    out_ref[...] = jnp.concatenate(
        [xyz_ref[...].T, ssig.T, seps.T], axis=0)


def _sc_pairs_body(tbl_hbm, p0_hbm, p1_hbm, out_hbm,
                   tbl_v, p0_v, p1_v, acc_v, shared_s, loc_v, out_v,
                   sem0, sem1, sem2):
    c = lax.axis_index("c")
    s = lax.axis_index("s")
    base = (c * _NS + s) * _PPW

    cp0 = pltpu.async_copy(tbl_hbm, tbl_v, sem0)
    cp1 = pltpu.async_copy(p0_hbm.at[pl.ds(base, _PPW)], p0_v, sem1)
    cp2 = pltpu.async_copy(p1_hbm.at[pl.ds(base, _PPW)], p1_v, sem2)
    cp0.wait()
    cp1.wait()
    cp2.wait()

    half = jnp.full((_L,), 0.5, jnp.float32)
    three_half = jnp.full((_L,), 1.5, jnp.float32)
    magic = jnp.full((_L,), 0x5F3759DF, jnp.int32)
    def body(i, acc):
        i0 = p0_v[pl.ds(i * _L, _L)]
        i1 = p1_v[pl.ds(i * _L, _L)]
        x0 = plsc.load_gather(tbl_v, [i0])
        y0 = plsc.load_gather(tbl_v, [i0 + _N])
        z0 = plsc.load_gather(tbl_v, [i0 + 2 * _N])
        sg0 = plsc.load_gather(tbl_v, [i0 + 3 * _N])
        ep0 = plsc.load_gather(tbl_v, [i0 + 4 * _N])
        x1 = plsc.load_gather(tbl_v, [i1])
        y1 = plsc.load_gather(tbl_v, [i1 + _N])
        z1 = plsc.load_gather(tbl_v, [i1 + 2 * _N])
        sg1 = plsc.load_gather(tbl_v, [i1 + 3 * _N])
        ep1 = plsc.load_gather(tbl_v, [i1 + 4 * _N])

        dx = x1 - x0
        dy = y1 - y0
        dz = z1 - z0
        d2 = dx * dx + dy * dy + dz * dz
        ib = magic - lax.shift_right_arithmetic(plsc.bitcast(d2, jnp.int32), 1)
        y = plsc.bitcast(ib, jnp.float32)
        hd2 = half * d2
        y = y * (three_half - hd2 * y * y)
        y = y * (three_half - hd2 * y * y)

        t = (sg0 * sg1) * y
        t2 = t * t
        t6 = t2 * t2 * t2
        em4 = 4.0 * (ep0 * ep1)
        return acc + em4 * (t6 * t6 - t6)

    acc = lax.fori_loop(0, _VECS, body, jnp.zeros((_L,), jnp.float32), unroll=2)
    acc_v[...] = acc
    pltpu.sync_copy(acc_v, shared_s.at[pl.ds(s * _L, _L)])
    plsc.subcore_barrier()

    @pl.when(s == 0)
    def _():
        pltpu.sync_copy(shared_s, loc_v)
        iot = lax.iota(jnp.int32, _L)
        outv = jnp.zeros((_L,), jnp.float32)
        for seg in range(_SEG_PER_CORE):
            a = loc_v[pl.ds((seg * _W_PER_SEG + 0) * _L, _L)]
            for j in range(1, _W_PER_SEG):
                a = a + loc_v[pl.ds((seg * _W_PER_SEG + j) * _L, _L)]
            tot = jnp.sum(a)
            outv = jnp.where(iot == seg, tot, outv)
        out_v[...] = outv
        pltpu.sync_copy(out_v, out_hbm.at[c])


@jax.jit
def _impl(r, pairs, xyz, s_W1, s_b1, s_W2, s_b2, s_W3, s_b3,
          e_W1, e_b1, e_W2, e_b2, e_W3, e_b3):
    tc_table = pl.pallas_call(
        _tc_table_body,
        out_shape=jax.ShapeDtypeStruct((5, _N), jnp.float32),
    )
    tbl = tc_table(
        r, xyz,
        s_W1, s_b1, s_W2, s_b2, s_W3, s_b3,
        e_W1, e_b1, e_W2, e_b2, e_W3, e_b3,
    ).reshape(-1)

    sc_pairs = functools.partial(
        pl.kernel,
        out_type=jax.ShapeDtypeStruct((_NC, _L), jnp.float32),
        mesh=plsc.VectorSubcoreMesh(core_axis_name="c", subcore_axis_name="s"),
        compiler_params=pltpu.CompilerParams(needs_layout_passes=False),
        scratch_types=[
            pltpu.VMEM((_N * 5,), jnp.float32),
            pltpu.VMEM((_PPW,), jnp.int32),
            pltpu.VMEM((_PPW,), jnp.int32),
            pltpu.VMEM((_L,), jnp.float32),
            pltpu.VMEM_SHARED((_NS * _L,), jnp.float32),
            pltpu.VMEM((_NS * _L,), jnp.float32),
            pltpu.VMEM((_L,), jnp.float32),
            pltpu.SemaphoreType.DMA,
            pltpu.SemaphoreType.DMA,
            pltpu.SemaphoreType.DMA,
        ],
    )(_sc_pairs_body)

    p0 = pairs[:, 0].astype(jnp.int32)
    p1 = pairs[:, 1].astype(jnp.int32)
    out2 = sc_pairs(tbl, p0, p1)
    return jnp.concatenate(
        [out2[0, :_SEG_PER_CORE], out2[1, :_SEG_PER_CORE]]).reshape(-1, 1)


def kernel(r, pairs, num_pairs, xyz, s_W1, s_b1, s_W2, s_b2, s_W3, s_b3,
           e_W1, e_b1, e_W2, e_b2, e_W3, e_b3):
    del num_pairs
    return _impl(r, pairs, xyz, s_W1, s_b1, s_W2, s_b2, s_W3, s_b3,
                 e_W1, e_b1, e_W2, e_b2, e_W3, e_b3)

# --- scband reference (transcript-rebuilt; emitter-appended) ---
"""Pipeline reference for scband-pair-net-37280316130040 (READ-ONLY COPY).

The authoritative reference and input builder live on the scoring server;
editing this copy changes nothing except your own understanding.
"""

import jax, jax.numpy as jnp
import numpy as np

N = 2048
P = 131072
FR = 128
H = 128
B = 8
SEG = P // B

def _mlp(x, W1, b1, W2, b2, W3, b3):
    h = jnp.tanh(x @ W1 + b1)
    h = jnp.tanh(h @ W2 + b2)
    return h @ W3 + b3

def setup_inputs(seed: int = 0):
    key = jax.random.key(seed)
    ks = jax.random.split(key, 18)
    r = jax.random.normal(ks[0], (N, FR), dtype=jnp.float32)
    xyz = 3.0 * jax.random.normal(ks[1], (N, 3), dtype=jnp.float32)
    p0 = jax.random.randint(ks[2], (P,), 0, N)
    off = jax.random.randint(ks[3], (P,), 1, N)
    p1 = (p0 + off) % N
    pairs = jnp.stack([p0, p1], axis=1)
    num_pairs = jnp.full((B,), SEG, dtype=jnp.int32)
    def lin(k, fan_in, fan_out):
        return 0.1 * jax.random.normal(k, (fan_in, fan_out), dtype=jnp.float32)
    inp = {"r": r, "pairs": pairs, "num_pairs": num_pairs, "xyz": xyz}
    for i, nm in enumerate(["s", "e"]):
        inp[nm + "_W1"] = lin(ks[4 + 6 * i], FR, H)
        inp[nm + "_b1"] = jnp.zeros((H,), dtype=jnp.float32)
        inp[nm + "_W2"] = lin(ks[5 + 6 * i], H, H)
        inp[nm + "_b2"] = jnp.zeros((H,), dtype=jnp.float32)
        inp[nm + "_W3"] = lin(ks[6 + 6 * i], H, 1)
        inp[nm + "_b3"] = jnp.zeros((1,), dtype=jnp.float32)
    return inp

def reference(r, pairs, num_pairs, xyz, s_W1, s_b1, s_W2, s_b2, s_W3, s_b3, e_W1, e_b1, e_W2, e_b2, e_W3, e_b3):
    # dense pairwise displacement tensor, as in the torch module
    disp = xyz[None, :, :] - xyz[:, None, :]  # disp[i, j] = xyz[j] - xyz[i]
    D2_full = jnp.sum(disp ** 2, axis=2)
    D2 = D2_full[pairs[:, 0], pairs[:, 1]].reshape(-1, 1)
    inv_D = D2 ** -0.5
    E = 0.0 * inv_D
    s_out = _mlp(r, s_W1, s_b1, s_W2, s_b2, s_W3, s_b3)
    sigma = 4.0 + 10.0 * s_out ** 2
    epsilon = 0.1 * _mlp(r, e_W1, e_b1, e_W2, e_b2, e_W3, e_b3) ** 2
    sigma_mixed = jnp.sqrt(sigma[pairs[:, 0]] * sigma[pairs[:, 1]])
    epsilon_mixed = jnp.sqrt(epsilon[pairs[:, 0]] * epsilon[pairs[:, 1]])
    D_inv_scal = sigma_mixed * inv_D
    E = E + 4.0 * epsilon_mixed * (D_inv_scal ** 12 - D_inv_scal ** 6)
    # split E by num_pairs (equal SEG-sized segments) and sum each chunk
    seg_ids = jnp.repeat(jnp.arange(num_pairs.shape[0]), SEG)
    E_mol = jax.ops.segment_sum(E[:, 0], seg_ids, num_segments=num_pairs.shape[0]).reshape(-1, 1)
    return E_mol

if __name__ == "__main__":
    import jax
    _d = setup_inputs()
    print(jax.jit(kernel)(*tuple(_d.values())))

</pallas_src>

<mosaic_0001>
#map = affine_map<(d0, d1) -> (0)>
#map1 = affine_map<(d0, d1) -> (0, 0)>
module attributes {stable_mosaic.version = 14 : i64} {
  func.func @_sc_pairs_body(%arg0: i32, %arg1: i32, %arg2: memref<10240xf32, #tpu.memory_space<hbm>>, %arg3: memref<131072xi32, #tpu.memory_space<hbm>>, %arg4: memref<131072xi32, #tpu.memory_space<hbm>>, %arg5: memref<2x16xf32, #tpu.memory_space<hbm>>, %arg6: memref<10240xf32, #tpu.memory_space<vmem>>, %arg7: memref<4096xi32, #tpu.memory_space<vmem>>, %arg8: memref<4096xi32, #tpu.memory_space<vmem>>, %arg9: memref<16xf32, #tpu.memory_space<vmem>>, %arg10: memref<256xf32, #tpu.memory_space<vmem_shared>>, %arg11: memref<256xf32, #tpu.memory_space<vmem>>, %arg12: memref<16xf32, #tpu.memory_space<vmem>>, %arg13: memref<!tpu.dma_semaphore, #tpu.memory_space<semaphore_mem>>, %arg14: memref<!tpu.dma_semaphore, #tpu.memory_space<semaphore_mem>>, %arg15: memref<!tpu.dma_semaphore, #tpu.memory_space<semaphore_mem>>) attributes {dimension_semantics = [#tpu.dimension_semantics<core_parallel>, #tpu.dimension_semantics<subcore_parallel>], iteration_bounds = array<i64: 2, 16>, scalar_prefetch = 0 : i64, scratch_operands = 10 : i64, tpu.core_type = #tpu.core_type<sc_vector_subcore>, window_params = [{transform_indices = #map}, {transform_indices = #map}, {transform_indices = #map}, {transform_indices = #map1}]} {
    %mul3A = arith.constant 16 : i32
    %mul3A_0 = arith.muli %arg0, %mul3A : i32
    %add3A = arith.addi %mul3A_0, %arg1 : i32
    %mul3A_1 = arith.constant 4096 : i32
    %mul3A_2 = arith.muli %add3A, %mul3A_1 : i32
    tpu.enqueue_dma source(%arg2 : memref<10240xf32, #tpu.memory_space<hbm>>) target(%arg6 : memref<10240xf32, #tpu.memory_space<vmem>>) target_semaphore(%arg13 : memref<!tpu.dma_semaphore, #tpu.memory_space<semaphore_mem>>)
    %dma_start3A = tpu.memref_slice %arg3[%mul3A_2] : memref<131072xi32, #tpu.memory_space<hbm>> -> memref<4096xi32, #tpu.memory_space<hbm>>
    %dma_start3A_3 = tpu.memref_slice %arg3[%mul3A_2] : memref<131072xi32, #tpu.memory_space<hbm>> -> memref<4096xi32, #tpu.memory_space<hbm>>
    tpu.enqueue_dma source(%dma_start3A_3 : memref<4096xi32, #tpu.memory_space<hbm>>) target(%arg7 : memref<4096xi32, #tpu.memory_space<vmem>>) target_semaphore(%arg14 : memref<!tpu.dma_semaphore, #tpu.memory_space<semaphore_mem>>)
    %dma_start3A_4 = tpu.memref_slice %arg4[%mul3A_2] : memref<131072xi32, #tpu.memory_space<hbm>> -> memref<4096xi32, #tpu.memory_space<hbm>>
    %dma_start3A_5 = tpu.memref_slice %arg4[%mul3A_2] : memref<131072xi32, #tpu.memory_space<hbm>> -> memref<4096xi32, #tpu.memory_space<hbm>>
    tpu.enqueue_dma source(%dma_start3A_5 : memref<4096xi32, #tpu.memory_space<hbm>>) target(%arg8 : memref<4096xi32, #tpu.memory_space<vmem>>) target_semaphore(%arg15 : memref<!tpu.dma_semaphore, #tpu.memory_space<semaphore_mem>>)
    tpu.wait_dma2 semaphore(%arg13 : memref<!tpu.dma_semaphore, #tpu.memory_space<semaphore_mem>>) src(%arg2 : memref<10240xf32, #tpu.memory_space<hbm>>) dst(%arg6 : memref<10240xf32, #tpu.memory_space<vmem>>)
    %dma_wait3A = tpu.memref_slice %arg3[%mul3A_2] : memref<131072xi32, #tpu.memory_space<hbm>> -> memref<4096xi32, #tpu.memory_space<hbm>>
    %dma_wait3A_6 = tpu.memref_slice %arg3[%mul3A_2] : memref<131072xi32, #tpu.memory_space<hbm>> -> memref<4096xi32, #tpu.memory_space<hbm>>
    tpu.wait_dma2 semaphore(%arg14 : memref<!tpu.dma_semaphore, #tpu.memory_space<semaphore_mem>>) src(%dma_wait3A_6 : memref<4096xi32, #tpu.memory_space<hbm>>) dst(%arg7 : memref<4096xi32, #tpu.memory_space<vmem>>)
    %dma_wait3A_7 = tpu.memref_slice %arg4[%mul3A_2] : memref<131072xi32, #tpu.memory_space<hbm>> -> memref<4096xi32, #tpu.memory_space<hbm>>
    %dma_wait3A_8 = tpu.memref_slice %arg4[%mul3A_2] : memref<131072xi32, #tpu.memory_space<hbm>> -> memref<4096xi32, #tpu.memory_space<hbm>>
    tpu.wait_dma2 semaphore(%arg15 : memref<!tpu.dma_semaphore, #tpu.memory_space<semaphore_mem>>) src(%dma_wait3A_8 : memref<4096xi32, #tpu.memory_space<hbm>>) dst(%arg8 : memref<4096xi32, #tpu.memory_space<vmem>>)
    %broadcast_in_dim3A = arith.constant 5.000000e-01 : f32
    %broadcast_in_dim3A_9 = vector.broadcast %broadcast_in_dim3A : f32 to vector<16xf32>
    %broadcast_in_dim3A_10 = arith.constant 1.500000e+00 : f32
    %broadcast_in_dim3A_11 = vector.broadcast %broadcast_in_dim3A_10 : f32 to vector<16xf32>
    %broadcast_in_dim3A_12 = arith.constant 1597463007 : i32
    %broadcast_in_dim3A_13 = vector.broadcast %broadcast_in_dim3A_12 : i32 to vector<16xi32>
    %broadcast_in_dim3A_14 = arith.constant 0.000000e+00 : f32
    %broadcast_in_dim3A_15 = vector.broadcast %broadcast_in_dim3A_14 : f32 to vector<16xf32>
    %scan3A = arith.constant 0 : i32
    %scan3A_16 = arith.constant 256 : i32
    %scan3A_17 = arith.addi %scan3A, %scan3A_16 : i32
    %scan3A_18 = arith.constant 2 : i32
    %scan3A_19 = scf.for %scan3A_26 = %scan3A to %scan3A_17 step %scan3A_18 iter_args(%scan3A_27 = %broadcast_in_dim3A_15) -> (vector<16xf32>)  : i32 {
      %mul3A_28 = arith.constant 16 : i32
      %mul3A_29 = arith.muli %scan3A_26, %mul3A_28 : i32
      %get3A = arith.index_cast %mul3A_29 : i32 to index
      %get3A_30 = tpu.vector_load %arg7[%get3A] {strides = array<i32>} : memref<4096xi32, #tpu.memory_space<vmem>>, vector<16xi32>,
      %mul3A_31 = arith.constant 16 : i32
      %mul3A_32 = arith.muli %scan3A_26, %mul3A_31 : i32
      %get3A_33 = arith.index_cast %mul3A_32 : i32 to index
      %get3A_34 = tpu.vector_load %arg8[%get3A_33] {strides = array<i32>} : memref<4096xi32, #tpu.memory_space<vmem>>, vector<16xi32>,
      %gather3A = tpu.vector_load_idx %arg6[%get3A_30] : memref<10240xf32, #tpu.memory_space<vmem>>[vector<16xi32>], vector<16xf32>,
      %add3A_35 = arith.constant 2048 : i32
      %add3A_36 = vector.broadcast %add3A_35 : i32 to vector<16xi32>
      %add3A_37 = arith.addi %get3A_30, %add3A_36 : vector<16xi32>
      %gather3A_38 = tpu.vector_load_idx %arg6[%add3A_37] : memref<10240xf32, #tpu.memory_space<vmem>>[vector<16xi32>], vector<16xf32>,
      %add3A_39 = arith.constant 4096 : i32
      %add3A_40 = vector.broadcast %add3A_39 : i32 to vector<16xi32>
      %add3A_41 = arith.addi %get3A_30, %add3A_40 : vector<16xi32>
      %gather3A_42 = tpu.vector_load_idx %arg6[%add3A_41] : memref<10240xf32, #tpu.memory_space<vmem>>[vector<16xi32>], vector<16xf32>,
      %add3A_43 = arith.constant 6144 : i32
      %add3A_44 = vector.broadcast %add3A_43 : i32 to vector<16xi32>
      %add3A_45 = arith.addi %get3A_30, %add3A_44 : vector<16xi32>
      %gather3A_46 = tpu.vector_load_idx %arg6[%add3A_45] : memref<10240xf32, #tpu.memory_space<vmem>>[vector<16xi32>], vector<16xf32>,
      %add3A_47 = arith.constant 8192 : i32
      %add3A_48 = vector.broadcast %add3A_47 : i32 to vector<16xi32>
      %add3A_49 = arith.addi %get3A_30, %add3A_48 : vector<16xi32>
      %gather3A_50 = tpu.vector_load_idx %arg6[%add3A_49] : memref<10240xf32, #tpu.memory_space<vmem>>[vector<16xi32>], vector<16xf32>,
      %gather3A_51 = tpu.vector_load_idx %arg6[%get3A_34] : memref<10240xf32, #tpu.memory_space<vmem>>[vector<16xi32>], vector<16xf32>,
      %add3A_52 = arith.constant 2048 : i32
      %add3A_53 = vector.broadcast %add3A_52 : i32 to vector<16xi32>
      %add3A_54 = arith.addi %get3A_34, %add3A_53 : vector<16xi32>
      %gather3A_55 = tpu.vector_load_idx %arg6[%add3A_54] : memref<10240xf32, #tpu.memory_space<vmem>>[vector<16xi32>], vector<16xf32>,
      %add3A_56 = arith.constant 4096 : i32
      %add3A_57 = vector.broadcast %add3A_56 : i32 to vector<16xi32>
      %add3A_58 = arith.addi %get3A_34, %add3A_57 : vector<16xi32>
      %gather3A_59 = tpu.vector_load_idx %arg6[%add3A_58] : memref<10240xf32, #tpu.memory_space<vmem>>[vector<16xi32>], vector<16xf32>,
      %add3A_60 = arith.constant 6144 : i32
      %add3A_61 = vector.broadcast %add3A_60 : i32 to vector<16xi32>
      %add3A_62 = arith.addi %get3A_34, %add3A_61 : vector<16xi32>
      %gather3A_63 = tpu.vector_load_idx %arg6[%add3A_62] : memref<10240xf32, #tpu.memory_space<vmem>>[vector<16xi32>], vector<16xf32>,
      %add3A_64 = arith.constant 8192 : i32
      %add3A_65 = vector.broadcast %add3A_64 : i32 to vector<16xi32>
      %add3A_66 = arith.addi %get3A_34, %add3A_65 : vector<16xi32>
      %gather3A_67 = tpu.vector_load_idx %arg6[%add3A_66] : memref<10240xf32, #tpu.memory_space<vmem>>[vector<16xi32>], vector<16xf32>,
      %sub3A = arith.subf %gather3A_51, %gather3A : vector<16xf32>
      %sub3A_68 = arith.subf %gather3A_55, %gather3A_38 : vector<16xf32>
      %sub3A_69 = arith.subf %gather3A_59, %gather3A_42 : vector<16xf32>
      %mul3A_70 = arith.mulf %sub3A, %sub3A : vector<16xf32>
      %mul3A_71 = arith.mulf %sub3A_68, %sub3A_68 : vector<16xf32>
      %add3A_72 = arith.addf %mul3A_70, %mul3A_71 : vector<16xf32>
      %mul3A_73 = arith.mulf %sub3A_69, %sub3A_69 : vector<16xf32>
      %add3A_74 = arith.addf %add3A_72, %mul3A_73 : vector<16xf32>
      %bitcast3A = vector.bitcast %add3A_74 : vector<16xf32> to vector<16xi32>
      %shift_right_arithmetic3A = arith.constant 1 : i32
      %shift_right_arithmetic3A_75 = vector.broadcast %shift_right_arithmetic3A : i32 to vector<16xi32>
      %shift_right_arithmetic3A_76 = arith.shrsi %bitcast3A, %shift_right_arithmetic3A_75 : vector<16xi32>
      %sub3A_77 = arith.subi %broadcast_in_dim3A_13, %shift_right_arithmetic3A_76 : vector<16xi32>
      %bitcast3A_78 = vector.bitcast %sub3A_77 : vector<16xi32> to vector<16xf32>
      %mul3A_79 = arith.mulf %broadcast_in_dim3A_9, %add3A_74 : vector<16xf32>
      %mul3A_80 = arith.mulf %mul3A_79, %bitcast3A_78 : vector<16xf32>
      %mul3A_81 = arith.mulf %mul3A_80, %bitcast3A_78 : vector<16xf32>
      %sub3A_82 = arith.subf %broadcast_in_dim3A_11, %mul3A_81 : vector<16xf32>
      %mul3A_83 = arith.mulf %bitcast3A_78, %sub3A_82 : vector<16xf32>
      %mul3A_84 = arith.mulf %mul3A_79, %mul3A_83 : vector<16xf32>
      %mul3A_85 = arith.mulf %mul3A_84, %mul3A_83 : vector<16xf32>
      %sub3A_86 = arith.subf %broadcast_in_dim3A_11, %mul3A_85 : vector<16xf32>
      %mul3A_87 = arith.mulf %mul3A_83, %sub3A_86 : vector<16xf32>
      %mul3A_88 = arith.mulf %gather3A_46, %gather3A_63 : vector<16xf32>
      %mul3A_89 = arith.mulf %mul3A_88, %mul3A_87 : vector<16xf32>
      %mul3A_90 = arith.mulf %mul3A_89, %mul3A_89 : vector<16xf32>
      %mul3A_91 = arith.mulf %mul3A_90, %mul3A_90 : vector<16xf32>
      %mul3A_92 = arith.mulf %mul3A_91, %mul3A_90 : vector<16xf32>
      %mul3A_93 = arith.mulf %gather3A_50, %gather3A_67 : vector<16xf32>
      %mul3A_94 = arith.constant 4.000000e+00 : f32
      %mul3A_95 = vector.broadcast %mul3A_94 : f32 to vector<16xf32>
      %mul3A_96 = arith.mulf %mul3A_95, %mul3A_93 : vector<16xf32>
      %mul3A_97 = arith.mulf %mul3A_92, %mul3A_92 : vector<16xf32>
      %sub3A_98 = arith.subf %mul3A_97, %mul3A_92 : vector<16xf32>
      %mul3A_99 = arith.mulf %mul3A_96, %sub3A_98 : vector<16xf32>
      %add3A_100 = arith.addf %scan3A_27, %mul3A_99 : vector<16xf32>
      %scan3A_101 = arith.constant 1 : i32
      %scan3A_102 = arith.addi %scan3A_26, %scan3A_101 : i32
      %mul3A_103 = arith.constant 16 : i32
      %mul3A_104 = arith.muli %scan3A_102, %mul3A_103 : i32
      %get3A_105 = arith.index_cast %mul3A_104 : i32 to index
      %get3A_106 = tpu.vector_load %arg7[%get3A_105] {strides = array<i32>} : memref<4096xi32, #tpu.memory_space<vmem>>, vector<16xi32>,
      %mul3A_107 = arith.constant 16 : i32
      %mul3A_108 = arith.muli %scan3A_102, %mul3A_107 : i32
      %get3A_109 = arith.index_cast %mul3A_108 : i32 to index
      %get3A_110 = tpu.vector_load %arg8[%get3A_109] {strides = array<i32>} : memref<4096xi32, #tpu.memory_space<vmem>>, vector<16xi32>,
      %gather3A_111 = tpu.vector_load_idx %arg6[%get3A_106] : memref<10240xf32, #tpu.memory_space<vmem>>[vector<16xi32>], vector<16xf32>,
      %add3A_112 = arith.constant 2048 : i32
      %add3A_113 = vector.broadcast %add3A_112 : i32 to vector<16xi32>
      %add3A_114 = arith.addi %get3A_106, %add3A_113 : vector<16xi32>
      %gather3A_115 = tpu.vector_load_idx %arg6[%add3A_114] : memref<10240xf32, #tpu.memory_space<vmem>>[vector<16xi32>], vector<16xf32>,
      %add3A_116 = arith.constant 4096 : i32
      %add3A_117 = vector.broadcast %add3A_116 : i32 to vector<16xi32>
      %add3A_118 = arith.addi %get3A_106, %add3A_117 : vector<16xi32>
      %gather3A_119 = tpu.vector_load_idx %arg6[%add3A_118] : memref<10240xf32, #tpu.memory_space<vmem>>[vector<16xi32>], vector<16xf32>,
      %add3A_120 = arith.constant 6144 : i32
      %add3A_121 = vector.broadcast %add3A_120 : i32 to vector<16xi32>
      %add3A_122 = arith.addi %get3A_106, %add3A_121 : vector<16xi32>
      %gather3A_123 = tpu.vector_load_idx %arg6[%add3A_122] : memref<10240xf32, #tpu.memory_space<vmem>>[vector<16xi32>], vector<16xf32>,
      %add3A_124 = arith.constant 8192 : i32
      %add3A_125 = vector.broadcast %add3A_124 : i32 to vector<16xi32>
      %add3A_126 = arith.addi %get3A_106, %add3A_125 : vector<16xi32>
      %gather3A_127 = tpu.vector_load_idx %arg6[%add3A_126] : memref<10240xf32, #tpu.memory_space<vmem>>[vector<16xi32>], vector<16xf32>,
      %gather3A_128 = tpu.vector_load_idx %arg6[%get3A_110] : memref<10240xf32, #tpu.memory_space<vmem>>[vector<16xi32>], vector<16xf32>,
      %add3A_129 = arith.constant 2048 : i32
      %add3A_130 = vector.broadcast %add3A_129 : i32 to vector<16xi32>
      %add3A_131 = arith.addi %get3A_110, %add3A_130 : vector<16xi32>
      %gather3A_132 = tpu.vector_load_idx %arg6[%add3A_131] : memref<10240xf32, #tpu.memory_space<vmem>>[vector<16xi32>], vector<16xf32>,
      %add3A_133 = arith.constant 4096 : i32
      %add3A_134 = vector.broadcast %add3A_133 : i32 to vector<16xi32>
      %add3A_135 = arith.addi %get3A_110, %add3A_134 : vector<16xi32>
      %gather3A_136 = tpu.vector_load_idx %arg6[%add3A_135] : memref<10240xf32, #tpu.memory_space<vmem>>[vector<16xi32>], vector<16xf32>,
      %add3A_137 = arith.constant 6144 : i32
      %add3A_138 = vector.broadcast %add3A_137 : i32 to vector<16xi32>
      %add3A_139 = arith.addi %get3A_110, %add3A_138 : vector<16xi32>
      %gather3A_140 = tpu.vector_load_idx %arg6[%add3A_139] : memref<10240xf32, #tpu.memory_space<vmem>>[vector<16xi32>], vector<16xf32>,
      %add3A_141 = arith.constant 8192 : i32
      %add3A_142 = vector.broadcast %add3A_141 : i32 to vector<16xi32>
      %add3A_143 = arith.addi %get3A_110, %add3A_142 : vector<16xi32>
      %gather3A_144 = tpu.vector_load_idx %arg6[%add3A_143] : memref<10240xf32, #tpu.memory_space<vmem>>[vector<16xi32>], vector<16xf32>,
      %sub3A_145 = arith.subf %gather3A_128, %gather3A_111 : vector<16xf32>
      %sub3A_146 = arith.subf %gather3A_132, %gather3A_115 : vector<16xf32>
      %sub3A_147 = arith.subf %gather3A_136, %gather3A_119 : vector<16xf32>
      %mul3A_148 = arith.mulf %sub3A_145, %sub3A_145 : vector<16xf32>
      %mul3A_149 = arith.mulf %sub3A_146, %sub3A_146 : vector<16xf32>
      %add3A_150 = arith.addf %mul3A_148, %mul3A_149 : vector<16xf32>
      %mul3A_151 = arith.mulf %sub3A_147, %sub3A_147 : vector<16xf32>
      %add3A_152 = arith.addf %add3A_150, %mul3A_151 : vector<16xf32>
      %bitcast3A_153 = vector.bitcast %add3A_152 : vector<16xf32> to vector<16xi32>
      %shift_right_arithmetic3A_154 = arith.constant 1 : i32
      %shift_right_arithmetic3A_155 = vector.broadcast %shift_right_arithmetic3A_154 : i32 to vector<16xi32>
      %shift_right_arithmetic3A_156 = arith.shrsi %bitcast3A_153, %shift_right_arithmetic3A_155 : vector<16xi32>
      %sub3A_157 = arith.subi %broadcast_in_dim3A_13, %shift_right_arithmetic3A_156 : vector<16xi32>
      %bitcast3A_158 = vector.bitcast %sub3A_157 : vector<16xi32> to vector<16xf32>
      %mul3A_159 = arith.mulf %broadcast_in_dim3A_9, %add3A_152 : vector<16xf32>
      %mul3A_160 = arith.mulf %mul3A_159, %bitcast3A_158 : vector<16xf32>
      %mul3A_161 = arith.mulf %mul3A_160, %bitcast3A_158 : vector<16xf32>
      %sub3A_162 = arith.subf %broadcast_in_dim3A_11, %mul3A_161 : vector<16xf32>
      %mul3A_163 = arith.mulf %bitcast3A_158, %sub3A_162 : vector<16xf32>
      %mul3A_164 = arith.mulf %mul3A_159, %mul3A_163 : vector<16xf32>
      %mul3A_165 = arith.mulf %mul3A_164, %mul3A_163 : vector<16xf32>
      %sub3A_166 = arith.subf %broadcast_in_dim3A_11, %mul3A_165 : vector<16xf32>
      %mul3A_167 = arith.mulf %mul3A_163, %sub3A_166 : vector<16xf32>
      %mul3A_168 = arith.mulf %gather3A_123, %gather3A_140 : vector<16xf32>
      %mul3A_169 = arith.mulf %mul3A_168, %mul3A_167 : vector<16xf32>
      %mul3A_170 = arith.mulf %mul3A_169, %mul3A_169 : vector<16xf32>
      %mul3A_171 = arith.mulf %mul3A_170, %mul3A_170 : vector<16xf32>
      %mul3A_172 = arith.mulf %mul3A_171, %mul3A_170 : vector<16xf32>
      %mul3A_173 = arith.mulf %gather3A_127, %gather3A_144 : vector<16xf32>
      %mul3A_174 = arith.constant 4.000000e+00 : f32
      %mul3A_175 = vector.broadcast %mul3A_174 : f32 to vector<16xf32>
      %mul3A_176 = arith.mulf %mul3A_175, %mul3A_173 : vector<16xf32>
      %mul3A_177 = arith.mulf %mul3A_172, %mul3A_172 : vector<16xf32>
      %sub3A_178 = arith.subf %mul3A_177, %mul3A_172 : vector<16xf32>
      %mul3A_179 = arith.mulf %mul3A_176, %sub3A_178 : vector<16xf32>
      %add3A_180 = arith.addf %add3A_100, %mul3A_179 : vector<16xf32>
      scf.yield %add3A_180 : vector<16xf32>
    }
    %scan3A_20 = arith.constant 256 : i32
    %swap3A = arith.constant 0 : index
    %swap3A_21 = tpu.vector_load %arg9[%swap3A] {strides = array<i32>} : memref<16xf32, #tpu.memory_space<vmem>>, vector<16xf32>,
    tpu.vector_store %arg9[%swap3A], %scan3A_19 {strides = array<i32>} : memref<16xf32, #tpu.memory_space<vmem>>, vector<16xf32>,
    %mul3A_22 = arith.constant 16 : i32
    %mul3A_23 = arith.muli %arg1, %mul3A_22 : i32
    "tpu.region"() ({
      %run_scoped3A = tpu.sem_alloc : memref<!tpu.dma_semaphore, #tpu.memory_space<semaphore_mem>>
      %dma_start3A_26 = tpu.memref_slice %arg10[%mul3A_23] : memref<256xf32, #tpu.memory_space<vmem_shared>> -> memref<16xf32, #tpu.memory_space<vmem_shared>>
      %dma_start3A_27 = tpu.memref_slice %arg10[%mul3A_23] : memref<256xf32, #tpu.memory_space<vmem_shared>> -> memref<16xf32, #tpu.memory_space<vmem_shared>>
      tpu.enqueue_dma source(%arg9 : memref<16xf32, #tpu.memory_space<vmem>>) target(%dma_start3A_27 : memref<16xf32, #tpu.memory_space<vmem_shared>>) target_semaphore(%run_scoped3A : memref<!tpu.dma_semaphore, #tpu.memory_space<semaphore_mem>>)
      %dma_wait3A_28 = tpu.memref_slice %arg10[%mul3A_23] : memref<256xf32, #tpu.memory_space<vmem_shared>> -> memref<16xf32, #tpu.memory_space<vmem_shared>>
      %dma_wait3A_29 = tpu.memref_slice %arg10[%mul3A_23] : memref<256xf32, #tpu.memory_space<vmem_shared>> -> memref<16xf32, #tpu.memory_space<vmem_shared>>
      tpu.wait_dma2 semaphore(%run_scoped3A : memref<!tpu.dma_semaphore, #tpu.memory_space<semaphore_mem>>) src(%arg9 : memref<16xf32, #tpu.memory_space<vmem>>) dst(%dma_wait3A_29 : memref<16xf32, #tpu.memory_space<vmem_shared>>)
      tpu.yield
    }) : () -> ()
    %barrier3A = arith.constant 0 : index
    tpu.barrier barrier_id(%barrier3A)
    %eq3A = arith.constant 0 : i32
    %eq3A_24 = arith.cmpi eq, %arg1, %eq3A : i32
    %convert_element_type3A = arith.extui %eq3A_24 : i1 to i32
    %cond3A = arith.constant 0 : i32
    %cond3A_25 = arith.cmpi ne, %convert_element_type3A, %cond3A : i32
    scf.if %cond3A_25 {
      "tpu.region"() ({
        %run_scoped3A = tpu.sem_alloc : memref<!tpu.dma_semaphore, #tpu.memory_space<semaphore_mem>>
        tpu.enqueue_dma source(%arg10 : memref<256xf32, #tpu.memory_space<vmem_shared>>) target(%arg11 : memref<256xf32, #tpu.memory_space<vmem>>) target_semaphore(%run_scoped3A : memref<!tpu.dma_semaphore, #tpu.memory_space<semaphore_mem>>)
        tpu.wait_dma2 semaphore(%run_scoped3A : memref<!tpu.dma_semaphore, #tpu.memory_space<semaphore_mem>>) src(%arg10 : memref<256xf32, #tpu.memory_space<vmem_shared>>) dst(%arg11 : memref<256xf32, #tpu.memory_space<vmem>>)
        tpu.yield
      }) : () -> ()
      %iota3A = tpu.iota {dimensions = array<i32: 0>} : vector<16xi32>
      %broadcast_in_dim3A_26 = arith.constant 0.000000e+00 : f32
      %broadcast_in_dim3A_27 = vector.broadcast %broadcast_in_dim3A_26 : f32 to vector<16xf32>
      %get3A = arith.constant 0 : index
      %get3A_28 = tpu.vector_load %arg11[%get3A] {strides = array<i32>} : memref<256xf32, #tpu.memory_space<vmem>>, vector<16xf32>,
      %get3A_29 = arith.constant 16 : index
      %get3A_30 = tpu.vector_load %arg11[%get3A_29] {strides = array<i32>} : memref<256xf32, #tpu.memory_space<vmem>>, vector<16xf32>,
      %add3A_31 = arith.addf %get3A_28, %get3A_30 : vector<16xf32>
      %get3A_32 = arith.constant 32 : index
      %get3A_33 = tpu.vector_load %arg11[%get3A_32] {strides = array<i32>} : memref<256xf32, #tpu.memory_space<vmem>>, vector<16xf32>,
      %add3A_34 = arith.addf %add3A_31, %get3A_33 : vector<16xf32>
      %get3A_35 = arith.constant 48 : index
      %get3A_36 = tpu.vector_load %arg11[%get3A_35] {strides = array<i32>} : memref<256xf32, #tpu.memory_space<vmem>>, vector<16xf32>,
      %add3A_37 = arith.addf %add3A_34, %get3A_36 : vector<16xf32>
      %reduce_sum3A = arith.constant true
      %reduce_sum3A_38 = vector.broadcast %reduce_sum3A : i1 to vector<16xi1>
      %reduce_sum3A_39 = tpu.scan <sum>, %add3A_37 masked %reduce_sum3A_38 : vector<16xf32>, vector<16xi1> -> vector<16xf32>
      %reduce_sum3A_40 = vector.extract %reduce_sum3A_39[15] : f32 from vector<16xf32>
      %eq3A_41 = arith.constant 0 : i32
      %eq3A_42 = vector.broadcast %eq3A_41 : i32 to vector<16xi32>
      %eq3A_43 = arith.cmpi eq, %iota3A, %eq3A_42 : vector<16xi32>
      %broadcast_in_dim3A_44 = vector.broadcast %reduce_sum3A_40 : f32 to vector<16xf32>
      %select_n3A = arith.select %eq3A_43, %broadcast_in_dim3A_44, %broadcast_in_dim3A_27 : vector<16xi1>, vector<16xf32>
      %get3A_45 = arith.constant 64 : index
      %get3A_46 = tpu.vector_load %arg11[%get3A_45] {strides = array<i32>} : memref<256xf32, #tpu.memory_space<vmem>>, vector<16xf32>,
      %get3A_47 = arith.constant 80 : index
      %get3A_48 = tpu.vector_load %arg11[%get3A_47] {strides = array<i32>} : memref<256xf32, #tpu.memory_space<vmem>>, vector<16xf32>,
      %add3A_49 = arith.addf %get3A_46, %get3A_48 : vector<16xf32>
      %get3A_50 = arith.constant 96 : index
      %get3A_51 = tpu.vector_load %arg11[%get3A_50] {strides = array<i32>} : memref<256xf32, #tpu.memory_space<vmem>>, vector<16xf32>,
      %add3A_52 = arith.addf %add3A_49, %get3A_51 : vector<16xf32>
      %get3A_53 = arith.constant 112 : index
      %get3A_54 = tpu.vector_load %arg11[%get3A_53] {strides = array<i32>} : memref<256xf32, #tpu.memory_space<vmem>>, vector<16xf32>,
      %add3A_55 = arith.addf %add3A_52, %get3A_54 : vector<16xf32>
      %reduce_sum3A_56 = arith.constant true
      %reduce_sum3A_57 = vector.broadcast %reduce_sum3A_56 : i1 to vector<16xi1>
      %reduce_sum3A_58 = tpu.scan <sum>, %add3A_55 masked %reduce_sum3A_57 : vector<16xf32>, vector<16xi1> -> vector<16xf32>
      %reduce_sum3A_59 = vector.extract %reduce_sum3A_58[15] : f32 from vector<16xf32>
      %eq3A_60 = arith.constant 1 : i32
      %eq3A_61 = vector.broadcast %eq3A_60 : i32 to vector<16xi32>
      %eq3A_62 = arith.cmpi eq, %iota3A, %eq3A_61 : vector<16xi32>
      %broadcast_in_dim3A_63 = vector.broadcast %reduce_sum3A_59 : f32 to vector<16xf32>
      %select_n3A_64 = arith.select %eq3A_62, %broadcast_in_dim3A_63, %select_n3A : vector<16xi1>, vector<16xf32>
      %get3A_65 = arith.constant 128 : index
      %get3A_66 = tpu.vector_load %arg11[%get3A_65] {strides = array<i32>} : memref<256xf32, #tpu.memory_space<vmem>>, vector<16xf32>,
      %get3A_67 = arith.constant 144 : index
      %get3A_68 = tpu.vector_load %arg11[%get3A_67] {strides = array<i32>} : memref<256xf32, #tpu.memory_space<vmem>>, vector<16xf32>,
      %add3A_69 = arith.addf %get3A_66, %get3A_68 : vector<16xf32>
      %get3A_70 = arith.constant 160 : index
      %get3A_71 = tpu.vector_load %arg11[%get3A_70] {strides = array<i32>} : memref<256xf32, #tpu.memory_space<vmem>>, vector<16xf32>,
      %add3A_72 = arith.addf %add3A_69, %get3A_71 : vector<16xf32>
      %get3A_73 = arith.constant 176 : index
      %get3A_74 = tpu.vector_load %arg11[%get3A_73] {strides = array<i32>} : memref<256xf32, #tpu.memory_space<vmem>>, vector<16xf32>,
      %add3A_75 = arith.addf %add3A_72, %get3A_74 : vector<16xf32>
      %reduce_sum3A_76 = arith.constant true
      %reduce_sum3A_77 = vector.broadcast %reduce_sum3A_76 : i1 to vector<16xi1>
      %reduce_sum3A_78 = tpu.scan <sum>, %add3A_75 masked %reduce_sum3A_77 : vector<16xf32>, vector<16xi1> -> vector<16xf32>
      %reduce_sum3A_79 = vector.extract %reduce_sum3A_78[15] : f32 from vector<16xf32>
      %eq3A_80 = arith.constant 2 : i32
      %eq3A_81 = vector.broadcast %eq3A_80 : i32 to vector<16xi32>
      %eq3A_82 = arith.cmpi eq, %iota3A, %eq3A_81 : vector<16xi32>
      %broadcast_in_dim3A_83 = vector.broadcast %reduce_sum3A_79 : f32 to vector<16xf32>
      %select_n3A_84 = arith.select %eq3A_82, %broadcast_in_dim3A_83, %select_n3A_64 : vector<16xi1>, vector<16xf32>
      %get3A_85 = arith.constant 192 : index
      %get3A_86 = tpu.vector_load %arg11[%get3A_85] {strides = array<i32>} : memref<256xf32, #tpu.memory_space<vmem>>, vector<16xf32>,
      %get3A_87 = arith.constant 208 : index
      %get3A_88 = tpu.vector_load %arg11[%get3A_87] {strides = array<i32>} : memref<256xf32, #tpu.memory_space<vmem>>, vector<16xf32>,
      %add3A_89 = arith.addf %get3A_86, %get3A_88 : vector<16xf32>
      %get3A_90 = arith.constant 224 : index
      %get3A_91 = tpu.vector_load %arg11[%get3A_90] {strides = array<i32>} : memref<256xf32, #tpu.memory_space<vmem>>, vector<16xf32>,
      %add3A_92 = arith.addf %add3A_89, %get3A_91 : vector<16xf32>
      %get3A_93 = arith.constant 240 : index
      %get3A_94 = tpu.vector_load %arg11[%get3A_93] {strides = array<i32>} : memref<256xf32, #tpu.memory_space<vmem>>, vector<16xf32>,
      %add3A_95 = arith.addf %add3A_92, %get3A_94 : vector<16xf32>
      %reduce_sum3A_96 = arith.constant true
      %reduce_sum3A_97 = vector.broadcast %reduce_sum3A_96 : i1 to vector<16xi1>
      %reduce_sum3A_98 = tpu.scan <sum>, %add3A_95 masked %reduce_sum3A_97 : vector<16xf32>, vector<16xi1> -> vector<16xf32>
      %reduce_sum3A_99 = vector.extract %reduce_sum3A_98[15] : f32 from vector<16xf32>
      %eq3A_100 = arith.constant 3 : i32
      %eq3A_101 = vector.broadcast %eq3A_100 : i32 to vector<16xi32>
      %eq3A_102 = arith.cmpi eq, %iota3A, %eq3A_101 : vector<16xi32>
      %broadcast_in_dim3A_103 = vector.broadcast %reduce_sum3A_99 : f32 to vector<16xf32>
      %select_n3A_104 = arith.select %eq3A_102, %broadcast_in_dim3A_103, %select_n3A_84 : vector<16xi1>, vector<16xf32>
      %swap3A_105 = arith.constant 0 : index
      %swap3A_106 = tpu.vector_load %arg12[%swap3A_105] {strides = array<i32>} : memref<16xf32, #tpu.memory_space<vmem>>, vector<16xf32>,
      tpu.vector_store %arg12[%swap3A_105], %select_n3A_104 {strides = array<i32>} : memref<16xf32, #tpu.memory_space<vmem>>, vector<16xf32>,
      "tpu.region"() ({
        %run_scoped3A = tpu.sem_alloc : memref<!tpu.dma_semaphore, #tpu.memory_space<semaphore_mem>>
        %dma_start3A_107 = arith.constant 0 : i32
        %dma_start3A_108 = tpu.memref_slice %arg5[%arg0, %dma_start3A_107] : memref<2x16xf32, #tpu.memory_space<hbm>> -> memref<1x16xf32, #tpu.memory_space<hbm>>
        %dma_start3A_109 = tpu.memref_squeeze %dma_start3A_108 : memref<1x16xf32, #tpu.memory_space<hbm>> -> memref<16xf32, #tpu.memory_space<hbm>>
        %dma_start3A_110 = arith.constant 0 : i32
        %dma_start3A_111 = tpu.memref_slice %arg5[%arg0, %dma_start3A_110] : memref<2x16xf32, #tpu.memory_space<hbm>> -> memref<1x16xf32, #tpu.memory_space<hbm>>
        %dma_start3A_112 = tpu.memref_squeeze %dma_start3A_111 : memref<1x16xf32, #tpu.memory_space<hbm>> -> memref<16xf32, #tpu.memory_space<hbm>>
        tpu.enqueue_dma source(%arg12 : memref<16xf32, #tpu.memory_space<vmem>>) target(%dma_start3A_112 : memref<16xf32, #tpu.memory_space<hbm>>) target_semaphore(%run_scoped3A : memref<!tpu.dma_semaphore, #tpu.memory_space<semaphore_mem>>)
        %dma_wait3A_113 = arith.constant 0 : i32
        %dma_wait3A_114 = tpu.memref_slice %arg5[%arg0, %dma_wait3A_113] : memref<2x16xf32, #tpu.memory_space<hbm>> -> memref<1x16xf32, #tpu.memory_space<hbm>>
        %dma_wait3A_115 = tpu.memref_squeeze %dma_wait3A_114 : memref<1x16xf32, #tpu.memory_space<hbm>> -> memref<16xf32, #tpu.memory_space<hbm>>
        %dma_wait3A_116 = arith.constant 0 : i32
        %dma_wait3A_117 = tpu.memref_slice %arg5[%arg0, %dma_wait3A_116] : memref<2x16xf32, #tpu.memory_space<hbm>> -> memref<1x16xf32, #tpu.memory_space<hbm>>
        %dma_wait3A_118 = tpu.memref_squeeze %dma_wait3A_117 : memref<1x16xf32, #tpu.memory_space<hbm>> -> memref<16xf32, #tpu.memory_space<hbm>>
        tpu.wait_dma2 semaphore(%run_scoped3A : memref<!tpu.dma_semaphore, #tpu.memory_space<semaphore_mem>>) src(%arg12 : memref<16xf32, #tpu.memory_space<vmem>>) dst(%dma_wait3A_118 : memref<16xf32, #tpu.memory_space<hbm>>)
        tpu.yield
      }) : () -> ()
    } else {
    }
    return
  }
}

module attributes {stable_mosaic.version = 14 : i64} {
  func.func @_tc_table_body(%arg0: memref<2048x128xf32, #tpu.memory_space<vmem>>, %arg1: memref<2048x3xf32, #tpu.memory_space<vmem>>, %arg2: memref<128x128xf32, #tpu.memory_space<vmem>>, %arg3: memref<128xf32, #tpu.memory_space<vmem>>, %arg4: memref<128x128xf32, #tpu.memory_space<vmem>>, %arg5: memref<128xf32, #tpu.memory_space<vmem>>, %arg6: memref<128x1xf32, #tpu.memory_space<vmem>>, %arg7: memref<1xf32, #tpu.memory_space<vmem>>, %arg8: memref<128x128xf32, #tpu.memory_space<vmem>>, %arg9: memref<128xf32, #tpu.memory_space<vmem>>, %arg10: memref<128x128xf32, #tpu.memory_space<vmem>>, %arg11: memref<128xf32, #tpu.memory_space<vmem>>, %arg12: memref<128x1xf32, #tpu.memory_space<vmem>>, %arg13: memref<1xf32, #tpu.memory_space<vmem>>, %arg14: memref<5x2048xf32, #tpu.memory_space<vmem>>) attributes {dimension_semantics = [], scalar_prefetch = 0 : i64, scratch_operands = 0 : i64, tpu.core_type = #tpu.core_type<tc>} {
    %get3A = arith.constant 0 : index
    %get3A_0 = arith.constant 0 : index
    %get3A_1 = vector.load %arg0[%get3A, %get3A_0] : memref<2048x128xf32, #tpu.memory_space<vmem>>, vector<2048x128xf32>
    %get3A_2 = arith.constant 0 : index
    %get3A_3 = arith.constant 0 : index
    %get3A_4 = vector.load %arg2[%get3A_2, %get3A_3] : memref<128x128xf32, #tpu.memory_space<vmem>>, vector<128x128xf32>
    %dot_general3A = arith.constant dense<0.000000e+00> : vector<2048x128xf32>
    %dot_general3A_5 = tpu.matmul %get3A_1, %get3A_4, %dot_general3A {dimension_numbers = #tpu.dot_dimension_numbers<[1], [0], [0], [1], [0, 0, 1, 1], [], []>, transpose_lhs_hint = false} : vector<2048x128xf32>, vector<128x128xf32>, vector<2048x128xf32> -> vector<2048x128xf32>
    %get3A_6 = arith.constant 0 : index
    %get3A_7 = vector.load %arg3[%get3A_6] : memref<128xf32, #tpu.memory_space<vmem>>, vector<128xf32>
    %broadcast_in_dim3A = vector.shape_cast %get3A_7 : vector<128xf32> to vector<1x128xf32>
    %add3A = vector.broadcast %broadcast_in_dim3A : vector<1x128xf32> to vector<2048x128xf32>
    %add3A_8 = arith.addf %dot_general3A_5, %add3A : vector<2048x128xf32>
    %tanh3A = math.tanh %add3A_8 : vector<2048x128xf32>
    %get3A_9 = arith.constant 0 : index
    %get3A_10 = arith.constant 0 : index
    %get3A_11 = vector.load %arg4[%get3A_9, %get3A_10] : memref<128x128xf32, #tpu.memory_space<vmem>>, vector<128x128xf32>
    %dot_general3A_12 = arith.constant dense<0.000000e+00> : vector<2048x128xf32>
    %dot_general3A_13 = tpu.matmul %tanh3A, %get3A_11, %dot_general3A_12 {dimension_numbers = #tpu.dot_dimension_numbers<[1], [0], [0], [1], [0, 0, 1, 1], [], []>, transpose_lhs_hint = false} : vector<2048x128xf32>, vector<128x128xf32>, vector<2048x128xf32> -> vector<2048x128xf32>
    %get3A_14 = arith.constant 0 : index
    %get3A_15 = vector.load %arg5[%get3A_14] : memref<128xf32, #tpu.memory_space<vmem>>, vector<128xf32>
    %broadcast_in_dim3A_16 = vector.shape_cast %get3A_15 : vector<128xf32> to vector<1x128xf32>
    %add3A_17 = vector.broadcast %broadcast_in_dim3A_16 : vector<1x128xf32> to vector<2048x128xf32>
    %add3A_18 = arith.addf %dot_general3A_13, %add3A_17 : vector<2048x128xf32>
    %tanh3A_19 = math.tanh %add3A_18 : vector<2048x128xf32>
    %get3A_20 = arith.constant 0 : index
    %get3A_21 = arith.constant 0 : index
    %get3A_22 = vector.load %arg6[%get3A_20, %get3A_21] : memref<128x1xf32, #tpu.memory_space<vmem>>, vector<128x1xf32>
    %dot_general3A_23 = arith.constant dense<0.000000e+00> : vector<2048x1xf32>
    %dot_general3A_24 = tpu.matmul %tanh3A_19, %get3A_22, %dot_general3A_23 {dimension_numbers = #tpu.dot_dimension_numbers<[1], [0], [0], [1], [0, 0, 1, 1], [], []>, transpose_lhs_hint = false} : vector<2048x128xf32>, vector<128x1xf32>, vector<2048x1xf32> -> vector<2048x1xf32>
    %get3A_25 = arith.constant 0 : index
    %get3A_26 = vector.load %arg7[%get3A_25] : memref<1xf32, #tpu.memory_space<vmem>>, vector<1xf32>
    %broadcast_in_dim3A_27 = vector.shape_cast %get3A_26 : vector<1xf32> to vector<1x1xf32>
    %add3A_28 = vector.broadcast %broadcast_in_dim3A_27 : vector<1x1xf32> to vector<2048x1xf32>
    %add3A_29 = arith.addf %dot_general3A_24, %add3A_28 : vector<2048x1xf32>
    %mul3A = arith.constant 1.000000e+01 : f32
    %mul3A_30 = vector.broadcast %mul3A : f32 to vector<2048x1xf32>
    %mul3A_31 = arith.mulf %mul3A_30, %add3A_29 : vector<2048x1xf32>
    %mul3A_32 = arith.mulf %mul3A_31, %add3A_29 : vector<2048x1xf32>
    %add3A_33 = arith.constant 4.000000e+00 : f32
    %add3A_34 = vector.broadcast %add3A_33 : f32 to vector<2048x1xf32>
    %add3A_35 = arith.addf %add3A_34, %mul3A_32 : vector<2048x1xf32>
    %sqrt3A = math.sqrt %add3A_35 : vector<2048x1xf32>
    %get3A_36 = arith.constant 0 : index
    %get3A_37 = arith.constant 0 : index
    %get3A_38 = vector.load %arg8[%get3A_36, %get3A_37] : memref<128x128xf32, #tpu.memory_space<vmem>>, vector<128x128xf32>
    %dot_general3A_39 = arith.constant dense<0.000000e+00> : vector<2048x128xf32>
    %dot_general3A_40 = tpu.matmul %get3A_1, %get3A_38, %dot_general3A_39 {dimension_numbers = #tpu.dot_dimension_numbers<[1], [0], [0], [1], [0, 0, 1, 1], [], []>, transpose_lhs_hint = false} : vector<2048x128xf32>, vector<128x128xf32>, vector<2048x128xf32> -> vector<2048x128xf32>
    %get3A_41 = arith.constant 0 : index
    %get3A_42 = vector.load %arg9[%get3A_41] : memref<128xf32, #tpu.memory_space<vmem>>, vector<128xf32>
    %broadcast_in_dim3A_43 = vector.shape_cast %get3A_42 : vector<128xf32> to vector<1x128xf32>
    %add3A_44 = vector.broadcast %broadcast_in_dim3A_43 : vector<1x128xf32> to vector<2048x128xf32>
    %add3A_45 = arith.addf %dot_general3A_40, %add3A_44 : vector<2048x128xf32>
    %tanh3A_46 = math.tanh %add3A_45 : vector<2048x128xf32>
    %get3A_47 = arith.constant 0 : index
    %get3A_48 = arith.constant 0 : index
    %get3A_49 = vector.load %arg10[%get3A_47, %get3A_48] : memref<128x128xf32, #tpu.memory_space<vmem>>, vector<128x128xf32>
    %dot_general3A_50 = arith.constant dense<0.000000e+00> : vector<2048x128xf32>
    %dot_general3A_51 = tpu.matmul %tanh3A_46, %get3A_49, %dot_general3A_50 {dimension_numbers = #tpu.dot_dimension_numbers<[1], [0], [0], [1], [0, 0, 1, 1], [], []>, transpose_lhs_hint = false} : vector<2048x128xf32>, vector<128x128xf32>, vector<2048x128xf32> -> vector<2048x128xf32>
    %get3A_52 = arith.constant 0 : index
    %get3A_53 = vector.load %arg11[%get3A_52] : memref<128xf32, #tpu.memory_space<vmem>>, vector<128xf32>
    %broadcast_in_dim3A_54 = vector.shape_cast %get3A_53 : vector<128xf32> to vector<1x128xf32>
    %add3A_55 = vector.broadcast %broadcast_in_dim3A_54 : vector<1x128xf32> to vector<2048x128xf32>
    %add3A_56 = arith.addf %dot_general3A_51, %add3A_55 : vector<2048x128xf32>
    %tanh3A_57 = math.tanh %add3A_56 : vector<2048x128xf32>
    %get3A_58 = arith.constant 0 : index
    %get3A_59 = arith.constant 0 : index
    %get3A_60 = vector.load %arg12[%get3A_58, %get3A_59] : memref<128x1xf32, #tpu.memory_space<vmem>>, vector<128x1xf32>
    %dot_general3A_61 = arith.constant dense<0.000000e+00> : vector<2048x1xf32>
    %dot_general3A_62 = tpu.matmul %tanh3A_57, %get3A_60, %dot_general3A_61 {dimension_numbers = #tpu.dot_dimension_numbers<[1], [0], [0], [1], [0, 0, 1, 1], [], []>, transpose_lhs_hint = false} : vector<2048x128xf32>, vector<128x1xf32>, vector<2048x1xf32> -> vector<2048x1xf32>
    %get3A_63 = arith.constant 0 : index
    %get3A_64 = vector.load %arg13[%get3A_63] : memref<1xf32, #tpu.memory_space<vmem>>, vector<1xf32>
    %broadcast_in_dim3A_65 = vector.shape_cast %get3A_64 : vector<1xf32> to vector<1x1xf32>
    %add3A_66 = vector.broadcast %broadcast_in_dim3A_65 : vector<1x1xf32> to vector<2048x1xf32>
    %add3A_67 = arith.addf %dot_general3A_62, %add3A_66 : vector<2048x1xf32>
    %sqrt3A_68 = arith.constant 1.000000e-01 : f32
    %sqrt3A_69 = math.sqrt %sqrt3A_68 : f32
    %abs3A = math.absf %add3A_67 : vector<2048x1xf32>
    %mul3A_70 = vector.broadcast %sqrt3A_69 : f32 to vector<2048x1xf32>
    %mul3A_71 = arith.mulf %mul3A_70, %abs3A : vector<2048x1xf32>
    %get3A_72 = arith.constant 0 : index
    %get3A_73 = arith.constant 0 : index
    %get3A_74 = vector.load %arg1[%get3A_72, %get3A_73] : memref<2048x3xf32, #tpu.memory_space<vmem>>, vector<2048x3xf32>
    %transpose3A = tpu.transpose %get3A_74, [1, 0] : vector<2048x3xf32> -> vector<3x2048xf32>
    %transpose3A_75 = tpu.transpose %sqrt3A, [1, 0] : vector<2048x1xf32> -> vector<1x2048xf32>
    %transpose3A_76 = tpu.transpose %mul3A_71, [1, 0] : vector<2048x1xf32> -> vector<1x2048xf32>
    %concatenate3A = tpu.concatenate %transpose3A, %transpose3A_75, %transpose3A_76 in 0 : vector<3x2048xf32>, vector<1x2048xf32>, vector<1x2048xf32> -> vector<5x2048xf32>
    %swap3A = arith.constant 0 : index
    %swap3A_77 = arith.constant 0 : index
    %swap3A_78 = vector.load %arg14[%swap3A, %swap3A_77] : memref<5x2048xf32, #tpu.memory_space<vmem>>, vector<5x2048xf32>
    tpu.vector_store %arg14[%swap3A, %swap3A_77], %concatenate3A {strides = array<i32>} : memref<5x2048xf32, #tpu.memory_space<vmem>>, vector<5x2048xf32>,
    return
  }
}

</mosaic_0001>

<sc_bundles>
// kernel: _impl.4.cloned.1.call-start
scs
__scs_entry_jumppad:
0x0: {  	(pc) =	sbr.rel $0x88, $3  }
0x1: {  	(tag) =	ssettag $0x0;
	lr =	simm.s32 $0x1  }
0x2: {  	[smem:$0x3F92] =	sst lr;
	_ =	strace $0xD0000000  }
0x3: {  	_ = 	snop  }
0x4: {  	_ = 	snop  }
0x5: {  	_ = 	snop  }
0x6: {  	_ = 	snop  }
0x7: {  	_ = 	snop  }
__scs_overlays_trampoline_lowered:
0x8: {  	[smem:$0x3FA1] =	sst s0  }
0x9: {  	[smem:$0x3FA2] =	sst s1  }
0xa: {  	[smem:$0x3FA3] =	sst s2  }
0xb: {  	[smem:$0x3FA4] =	sst s3  }
0xc: {  	[smem:$0x3FA5] =	sst s4  }
0xd: {  	[smem:$0x3FA6] =	sst s5  }
0xe: {  	[smem:$0x3FA7] =	sst s6  }
0xf: {  	[smem:$0x3FA8] =	sst s7  }
0x10: {  	[smem:$0x3FA9] =	sst s8  }
0x11: {  	[smem:$0x3FAA] =	sst s9;
	s0 =	simm.s32 @!p0 $0x0  }
0x12: {  	s1 =	sld [smem:$0x3F90];
	s0 =	simm.s32 @p0 $0x1  }
0x13: {  	[smem:$0x3FAB] =	sst s0;
	s0 =	simm.s32 @!p1 $0x0  }
0x14: {  	s2 =	sld [smem:$0x3F8F];
	s0 =	simm.s32 @p1 $0x1  }
0x15: {  	[smem:$0x3FAC] =	sst s0;
	s0 =	simm.s32 @!p2 $0x0  }
0x16: {  	s3 =	sld [smem:$0x3FDB];
	s0 =	simm.s32 @p2 $0x1  }
0x17: {  	s4 =	simm.s32 $0x1BF5;
	[smem:$0x3FAE] =	sst s0  }
0x18: {  	s0 =	sld [smem:$0x3F91];
	_ =	swait.ge [sflag:s4], $0x0  }
0x19: {  	s7 =	sld [smem:$0x3F92]  }
0x1a: {  	s8 =	sadd.s32 $0xFFFFE003, lr  }
0x1b: {  	s9 =	sadd.s32 $0xFFFFFEF7, lr;
	s5 =	simm.s32 $0xFFFFFFFF;
	p2 =	slt.u32 s8, $0xFFFFF086  }
0x1c: {  	p1 =	slt.u32 s9, $0xF7A;
	s5 =	simm.s32 @!p2 $0x0  }
0x1d: {  	s5 =	simm.s32 @p1 $0x1;
	p0 =	seq.s32 s7, s2  }
0x1e: {  	s7 =	smul.u32 @!p0 $0xF7A, s2;
	p2 =	seq.s32 @!p0 s5, $0x0  }
0x1f: {  	s9 =	smul.u32 $0xF7A, s1;
	s8 =	simm.s32 @!p0 $0x1BF5;
	p2 =	por !p2, p0  }
0x20: {  	[sflag:s8] =	ssyncset.s32 @!p0 $0xFFFFF086;
	s6 =	sadd.s32 @!p0 s3, s7;
	s7 =	simm.s32 @!p0 $0x108  }
0x21: {  	s3 =	sadd.s32 s3, s9;
	s6 =	sadd.s32 @!p0 $0x88, s6;
	s7 =	simm.s32 @p2 $0x1082  }
0x22: {  	[simem:s7], [sflag:s8] =	dma.local @!p0 [hbm:s6], $0xF7A  }
0x23: {  	s9 =	sor.u32 $0xD0000000, s2;
	s6 =	simm.s32 $0x108;
	_ =	swait.ge @!p0 [sflag:s8], $0x0  }
0x24: {  	s3 =	sadd.s32 $0x88, s3;
	s6 =	simm.s32 @!p1 $0x1082;
	[sflag:s4] =	ssyncset.s32 $0xFFFFF086  }
0x25: {  	[simem:s6], [sflag:s4] =	dma.local [hbm:s3], $0xF7A  }
0x26: {  	[smem:$0x3F92] =	sst s1;
	(tag) =	ssettag s2;
	_ =	strace s9  }
0x27: {  	s1 =	sld [smem:$0x3FA2]  }
0x28: {  	s2 =	sld [smem:$0x3FA3]  }
0x29: {  	s4 =	sld [smem:$0x3FA5]  }
0x2a: {  	p0 =	seq.s32 s5, $0x0;
	s5 =	sld [smem:$0x3FA6]  }
0x2b: {  	s6 =	sld [smem:$0x3FA7]  }
0x2c: {  	s7 =	sld [smem:$0x3FA8]  }
0x2d: {  	s3 =	simm.s32 $0x108;
	s8 =	sld [smem:$0x3FA9]  }
0x2e: {  	s3 =	simm.s32 @!p0 $0x1082;
	s9 =	sld [smem:$0x3FAA]  }
0x2f: {  	lr =	sadd.s32 s0, s3;
	s0 =	sld [smem:$0x3FA1]  }
0x30: {  	s3 =	sld [smem:$0x3FA4]  }
0x31: {  	[smem:$0x3FAD] =	sst s10  }
0x32: {  	s10 =	sld [smem:$0x3FAB];
	_ =	sdelay $0x3  }
0x33: {  	p0 =	seq.s32 s10, $0x1;
	s10 =	sld [smem:$0x3FAD];
	_ =	sdelay $0x3  }
0x34: {  	[smem:$0x3FAD] =	sst s10  }
0x35: {  	s10 =	sld [smem:$0x3FAC];
	_ =	sdelay $0x3  }
0x36: {  	p1 =	seq.s32 s10, $0x1;
	s10 =	sld [smem:$0x3FAD];
	_ =	sdelay $0x3  }
0x37: {  	[smem:$0x3FAD] =	sst s10  }
0x38: {  	s10 =	sld [smem:$0x3FAE]  }
0x39: {  	_ = 	snop;
	(pc) =	sbr.ind lr, $3  }
0x3a: {  	_ = 	snop  }
0x3b: {  	_ = 	snop  }
0x3c: {  	p2 =	seq.s32 s10, $0x1;
	s10 =	sld [smem:$0x3FAD]  }
0x3d: {  	_ =	shalt  }
0x3e: {  	_ =	shalt  }
0x3f: {  	_ =	shalt  }
0x40: {  	_ =	shalt  }
0x41: {  	_ =	shalt  }
0x42: {  	_ =	shalt  }
0x43: {  	_ =	shalt  }
0x44: {  	_ =	shalt  }
0x45: {  	_ =	shalt  }
0x46: {  	_ =	shalt  }
0x47: {  	_ =	shalt  }
0x48: {  	_ =	shalt  }
0x49: {  	_ =	shalt  }
0x4a: {  	_ =	shalt  }
0x4b: {  	_ =	shalt  }
0x4c: {  	_ =	shalt  }
0x4d: {  	_ =	shalt  }
0x4e: {  	_ =	shalt  }
0x4f: {  	_ =	shalt  }
0x50: {  	_ =	shalt  }
0x51: {  	_ =	shalt  }
0x52: {  	_ =	shalt  }
0x53: {  	_ =	shalt  }
0x54: {  	_ =	shalt  }
0x55: {  	_ =	shalt  }
0x56: {  	_ =	shalt  }
0x57: {  	_ =	shalt  }
0x58: {  	_ =	shalt  }
0x59: {  	_ =	shalt  }
0x5a: {  	_ =	shalt  }
0x5b: {  	_ =	shalt  }
0x5c: {  	_ =	shalt  }
0x5d: {  	_ =	shalt  }
0x5e: {  	_ =	shalt  }
0x5f: {  	_ =	shalt  }
0x60: {  	_ =	shalt  }
0x61: {  	_ =	shalt  }
0x62: {  	_ =	shalt  }
0x63: {  	_ =	shalt  }
0x64: {  	_ =	shalt  }
0x65: {  	_ =	shalt  }
0x66: {  	_ =	shalt  }
0x67: {  	_ =	shalt  }
0x68: {  	_ =	shalt  }
0x69: {  	_ =	shalt  }
0x6a: {  	_ =	shalt  }
0x6b: {  	_ =	shalt  }
0x6c: {  	_ =	shalt  }
0x6d: {  	_ =	shalt  }
0x6e: {  	_ =	shalt  }
0x6f: {  	_ =	shalt  }
0x70: {  	_ =	shalt  }
0x71: {  	_ =	shalt  }
0x72: {  	_ =	shalt  }
0x73: {  	_ =	shalt  }
0x74: {  	_ =	shalt  }
0x75: {  	_ =	shalt  }
0x76: {  	_ =	shalt  }
0x77: {  	_ =	shalt  }
0x78: {  	_ =	shalt  }
0x79: {  	_ =	shalt  }
0x7a: {  	_ =	shalt  }
0x7b: {  	_ =	shalt  }
0x7c: {  	_ =	shalt  }
0x7d: {  	_ =	shalt  }
0x7e: {  	_ =	shalt  }
0x7f: {  	_ =	shalt  }
0x80: {  	_ =	shalt  }
0x81: {  	_ =	shalt  }
0x82: {  	_ =	shalt  }
0x83: {  	_ =	shalt  }
0x84: {  	_ =	shalt  }
0x85: {  	_ =	shalt  }
0x86: {  	_ =	shalt  }
0x87: {  	_ =	shalt  }
.Lfunc_end0:
.L_simem_size_0:
called_computation_lowered:
.L_overlay_start_0:
0x88: {  	s2 =	sld [smem:$0x3FD9]  }
0x89: {  	s3 =	sld [smem:$0x3FFE];
	_ =	sdelay $0x1  }
0x8a: {  	s1 =	srdreg.scid  }
0x8b: {  	s0 =	sand.u32 $0x1, s1  }
0x8c: {  	s16 =	sshll.u32 s0, $0xA;
	s2 =	sadd.s32 s3, s2  }
0x8d: {  	s2 =	sadd.s32 s2, s16  }
0x8e: {  	[smem:$0x3FB9] =	sst s2  }
0x8f: {  	_ = 	snop  }
0x90: {  	(tm) =	ssettm $0x1  }
0x91: {  	s17 =	sld [smem:$0x3FFB];
	_ =	sdelay $0x3  }
0x92: {  	_ =	strace s17  }
0x93: {  	s2 =	sld [smem:$0x3FFC];
	_ =	sdelay $0x3  }
0x94: {  	_ =	strace s2  }
0x95: {  	s2 =	sld [smem:$0x3FFD];
	_ =	sdelay $0x3  }
0x96: {  	_ =	strace s2  }
0x97: {  	_ =	strace $0x8FFFFFFF  }
0x98: {  	s18 =	sld [smem:$0x3FDB];
	_ =	sdelay $0x1  }
0x99: {  	s19 =	simm.s32 $_scs_section_size  }
0x9a: {  	s4 =	simm.s32 $_size__tile_overlayer_lowered;
	s5 =	simm.s32 $_tile_overlayer_lowered  }
0x9b: {  	s22 =	simm.s32 $0x1BFF;
	s21 =	sshll.u32 s5, $0x1;
	s2 =	sadd.s32 s19, s18  }
0x9c: {  	s6 =	simm.s32 $0x0;
	s20 =	sshll.u32 s4, $0x1;
	s4 =	sadd.s32 s21, s2  }
0x9d: {  	[timem:s6], [sflag:s22] =	dma.local [hbm:s4], s20  }
0x9e: {  	_ =	swait.ge [sflag:s22], s20  }
0x9f: {  	s3 =	ssub.s32 $0x0, s20;
	[sflag:s22] =	ssyncset.done $0x0  }
0xa0: {  	[sflag:s22] =	ssyncadd.s32 s3;
	_ =	sdelay $0x1  }
0xa1: {  	s23 =	simm.s32 $0x1B8B  }
0xa2: {  	_ =	swait.ge [sflag:s23], $0x1  }
0xa3: {  	[sflag:s23] =	ssyncset.done $0x0  }
0xa4: {  	s25 =	simm.s32 $0x1B8E;
	s24 =	sld [smem:$0x3FFE];
	[sflag:s23] =	ssyncadd.s32 $0xFFFFFFFF  }
0xa5: {  	s26 =	simm.s32 $execute0_lowered;
	[smem:$0x3FD2] =	sst s25  }
0xa6: {  	s4 =	sshll.u32 s26, $0x1;
	_ =	strace $0x80000046;
	[dreg:$0x1] =	wrdreg $0xFFFFFFFF  }
0xa7: {  	s28 =	simm.s32 $_size_execute0_lowered;
	s2 =	sadd.s32 s2, s4;
	[dreg:$0x0] =	wrdreg $0x0  }
0xa8: {  	s4 =	sshll.u32 s28, $0x1;
	[dreg:$0x2] =	wrdreg s2  }
0xa9: {  	[dreg:$0x3] =	wrdreg s4  }
0xaa: {  	[dreg:$0x4] =	wrdreg $0xC0  }
0xab: {  	_ =	task [dreg:s6], $0x5FFFF  }
0xac: {  	[dreg:$0x1] =	wrdreg $0xFFFFFFFF  }
0xad: {  	[dreg:$0x0] =	wrdreg $0x60  }
0xae: {  	[dreg:$0x2] =	wrdreg s24  }
0xaf: {  	[dreg:$0x3] =	wrdreg $0x48800  }
0xb0: {  	[dreg:$0x4] =	wrdreg $0x9  }
0xb1: {  	_ =	task.clear_ibuf [dreg:s6], $0x5FFFF;
	_ =	strace $0x90000046  }
0xb2: {  	s29 =	simm.s32 $0x9;
	_ =	strace $0x80000048  }
0xb3: {  	_ =	swait.ge [sflag:s29], $0x1  }
0xb4: {  	[sflag:s29] =	ssyncadd.s32 $0xFFFFFFFF  }
0xb5: {  	_ =	strace $0x90000048  }
0xb6: {  	_ =	sfence  }
0xb7: {  	s30 =	sld [smem:$0x0];
	_ =	sdelay $0x2  }
0xb8: {  	s31 =	sshll.u32 s1, $0xD;
	s1 =	sshrl.u32 s1, $0x2  }
0xb9: {  	s3 =	sand.u32 $0x4000, s31;
	s1 =	sadd.s32 s1, s30  }
0xba: {  	s0 =	sor.u32 s3, s0;
	s1 =	sshll.u32 s1, $0x11  }
0xbb: {  	s0 =	sor.u32 s1, s0  }
0xbc: {  	s0 =	sadd.s32 $0x8F2B, s0  }
0xbd: {  	[sflag:s0] =	ssyncadd.remote.s32 $0x1  }
0xbe: {  	_ =	sfence.sel $0xFFFF  }
0xbf: {  	[dreg:$0x0] =	wrdreg $0xFFFFFFFF;
	(pc) =	sbr.abs _section_cstart, $3  }
0xc0: {  	[dreg:$0x1] =	wrdreg $0xFFFFFFFF  }
0xc1: {  	_ =	task.clear_ibuf [dreg:s6], $0x2FFFF;
	_ =	strace $0x9FFFFFFF  }
0xc2: {  	(tm) =	ssettm $0x7FFFFFFF  }
0xc3: {  	_ =	shalt  }
tec
execute0_lowered:
.L_overlay_start_1:
0x0: {  	(tag) =	ssettag $0x1  }
0x1: {  	s4 =	rddreg [dreg:$0x0]  }
0x2: {  	s1 =	rddreg [dreg:$0x1]  }
0x3: {  	s0 =	rddreg [dreg:$0x2];
	s2 =	simm.s32 $0x0  }
0x4: {  	s5 =	srdreg.scid;
	s11 =	stileid.u32;
	s10 =	simm.s32 $0x3800  }
0x5: {  	s12 =	simm.s32 $0x2;
	s13 =	simm.s32 $0x3;
	s14 =	simm.s32 $0x4800  }
0x6: {  	s15 =	simm.s32 $0x4;
	s16 =	simm.s32 $0x0;
	[smem:$0x7FF] =	sst s2  }
0x7: {  	s3 =	sadd.s32 $0x1C00, s4;
	s5 =	sand.u32 $0x1, s5;
	s7 =	sshll.u32 s11, $0x9  }
0x8: {  	s31 =	sshll.u32 s11, $0x4;
	p0 =	sne.s32 s11, $0x0;
	s11 =	simm.s32 $0x1  }
0x9: {  	_ =	strace $0x80000047;
	s6 =	sshll.u32 s5, $0xD;
	s8 =	ssub.s32 $0x2, s5  }
0xa: {  	s5 =	sshll.u32 s5, $0x4;
	s6 =	sor.u32 s7, s6;
	s30 =	sshrl.u32 s8, $0x1  }
0xb: {  	s9 =	sadd.s32 s5, s4;
	s6 =	sadd.s32 s6, s4;
	s8 =	ssub.s32 s8, s30  }
0xc: {  	vm0 =	vmmov @!p0 $0x1;
	s7 =	sadd.s32 $0xA200, s9;
	s9 =	simm.s32 $0x2800;
	s4 =	sadd.s32 $0x6200, s6  }
0xd: {  	vm1 =	vcmask @!p0 $0x310;
	vm2 =	vcmask @!p0 $0x710;
	vm3 =	vcmask @!p0 $0xB10;
	s5 =	sadd.s32 $0x2200, s6;
	s6 =	sadd.s32 s31, s1;
	s8 =	smax.u32 s8, $0x1  }
.LBB2_1:
0xe: {  	[tilespmem:s2], [sflag:$0x1] =	stream.linear.gather [hbm4b:s3+s2], $0x2800, $0x38;
	[tilespmem:$0x4A10] =	vst v63  }
0xf: {  	_ = 	snop  }
0x10: {  	[tilespmem:s9], [sflag:$0x2] =	stream.linear.gather [hbm4b:s4+s2], $0x1000, $0x38;
	[tilespmem:$0x4A10] =	vst v63  }
0x11: {  	_ = 	snop  }
0x12: {  	[tilespmem:s10], [sflag:$0x3] =	stream.linear.gather [hbm4b:s5+s2], $0x1000, $0x38;
	[tilespmem:$0x4A10] =	vst v63  }
0x13: {  	_ =	swait.ge [sflag:s11], $0x2800  }
0x14: {  	[sflag:s11] =	ssyncset.done $0x0  }
0x15: {  	[sflag:s11] =	ssyncadd.s32 $0xFFFFD800  }
0x16: {  	_ =	swait.ge [sflag:s12], $0x1000  }
0x17: {  	[sflag:s12] =	ssyncset.done $0x0  }
0x18: {  	[sflag:s12] =	ssyncadd.s32 $0xFFFFF000  }
0x19: {  	_ =	swait.ge [sflag:s13], $0x1000  }
0x1a: {  	[sflag:s13] =	ssyncset.done $0x0  }
0x1b: {  	s17 =	simm.s32 $0x2810;
	[sflag:s13] =	ssyncadd.s32 $0xFFFFF000  }
0x1c: {  	s18 =	simm.s32 $0x3810;
	v0 =	vld [tilespmem:s17+$0xFFFFFFF0]  }
0x1d: {  	v1 =	vld [tilespmem:s18+$0xFFFFFFF0]  }
0x1e: {  	v2 =	vld [tilespmem:s18+$0x0]  }
0x1f: {  	v3 =	vld [tilespmem:s17+$0x0];
	_ =	sdelay $0x2  }
0x20: {  	s30 =	simm.s32 $0x3830  }
0x21: {  	v18 =	vld [tilespmem:s30+$0x0];
	v4 =	vadd.s32 $0x800, v0  }
0x22: {  	v5 =	vadd.s32 $0x800, v1;
	v6 =	vld.idx.msk [tilespmem:v0+s2+$0x0], $0xffff  }
0x23: {  	v7 =	vadd.s32 $0x1000, v0;
	v8 =	vld.idx.msk [tilespmem:v1+s2+$0x0], $0xffff  }
0x24: {  	v9 =	vadd.s32 $0x1000, v1;
	v11 =	vld.idx.msk [tilespmem:v2+s2+$0x0], $0xffff  }
0x25: {  	v10 =	vadd.s32 $0x800, v2;
	v13 =	vld.idx.msk [tilespmem:v3+s2+$0x0], $0xffff  }
0x26: {  	v14 =	vadd.s32 $0x800, v3;
	v4 =	vld.idx.msk [tilespmem:v4+s2+$0x0], $0xffff  }
0x27: {  	v12 =	vadd.s32 $0x1000, v3;
	v5 =	vld.idx.msk [tilespmem:v5+s2+$0x0], $0xffff  }
0x28: {  	v15 =	vadd.s32 $0x1000, v2;
	v7 =	vld.idx.msk [tilespmem:v7+s2+$0x0], $0xffff  }
0x29: {  	v16 =	vadd.s32 $0x2000, v1;
	v9 =	vld.idx.msk [tilespmem:v9+s2+$0x0], $0xffff  }
0x2a: {  	v10 =	vld.idx.msk [tilespmem:v10+s2+$0x0], $0xffff  }
0x2b: {  	v17 =	vadd.s32 $0x2000, v3;
	v14 =	vld.idx.msk [tilespmem:v14+s2+$0x0], $0xffff  }
0x2c: {  	v12 =	vld.idx.msk [tilespmem:v12+s2+$0x0], $0xffff  }
0x2d: {  	v15 =	vld.idx.msk [tilespmem:v15+s2+$0x0], $0xffff;
	v6 =	vsub.f32 v8, v6;
	v4 =	vsub.f32 v5, v4  }
0x2e: {  	v3 =	vadd.s32 $0x1800, v3;
	v1 =	vadd.s32 $0x1800, v1;
	v5 =	vld.idx.msk [tilespmem:v16+s2+$0x0], $0xffff;
	v16 =	vadd.s32 $0x1800, v0  }
0x2f: {  	v27 =	vld.idx.msk [tilespmem:v18+s2+$0x0], $0xffff;
	v6 =	vmul.f32 v6, v6;
	v7 =	vsub.f32 v9, v7;
	v4 =	vmul.f32 v4, v4  }
0x30: {  	s31 =	simm.s32 $0x2830;
	v17 =	vld.idx.msk [tilespmem:v17+s2+$0x0], $0xffff;
	v0 =	vadd.s32 $0x2000, v0;
	v9 =	vsub.f32 v11, v13;
	v10 =	vsub.f32 v10, v14  }
0x31: {  	v8 =	vadd.s32 $0x2000, v2;
	v11 =	vld [tilespmem:s31+$0xFFFFFFF0];
	v4 =	vadd.f32 v4, v6;
	v6 =	vmul.f32 v7, v7  }
0x32: {  	v12 =	vsub.f32 v15, v12;
	v9 =	vmul.f32 v9, v9;
	v10 =	vmul.f32 v10, v10;
	v7 =	vld [tilespmem:s30+$0xFFFFFFF0]  }
0x33: {  	v1 =	vld.idx.msk [tilespmem:v1+s2+$0x0], $0xffff;
	v4 =	vadd.f32 v6, v4  }
0x34: {  	v14 =	vld.idx.msk [tilespmem:v3+s2+$0x0], $0xffff;
	v9 =	vadd.f32 v10, v9;
	v10 =	vmul.f32 v12, v12  }
0x35: {  	v12 =	vld.idx.msk [tilespmem:v0+s2+$0x0], $0xffff;
	v0 =	vshra.s32 v4, $0x1;
	v4 =	vmul.f32 $5.000000000e-01, v4  }
0x36: {  	v13 =	vadd.s32 $0x800, v11;
	v6 =	vld [tilespmem:s31+$0x0];
	v9 =	vadd.f32 v10, v9;
	v3 =	vsub.s32 $0x5F3759DF, v0  }
0x37: {  	v8 =	vld.idx.msk [tilespmem:v8+s2+$0x0], $0xffff;
	v21 =	vadd.s32 $0x1000, v11;
	v15 =	vmul.f32 v3, v4  }
0x38: {  	v10 =	vld.idx.msk [tilespmem:v16+s2+$0x0], $0xffff;
	v20 =	vmul.f32 $5.000000000e-01, v9;
	v9 =	vshra.s32 v9, $0x1;
	v16 =	vadd.s32 $0x800, v7  }
0x39: {  	v26 =	vadd.s32 $0x800, v18;
	v19 =	vld.idx.msk [tilespmem:v11+s2+$0x0], $0xffff;
	v9 =	vsub.s32 $0x5F3759DF, v9;
	v15 =	vmul.f32 v3, v15  }
0x3a: {  	v29 =	vadd.s32 $0x1000, v18;
	v23 =	vadd.s32 $0x1000, v7;
	v24 =	vmul.f32 v9, v20;
	v22 =	vld.idx.msk [tilespmem:v7+s2+$0x0], $0xffff  }
0x3b: {  	v63 =	vadd.s32 $0x2000, v18;
	v13 =	vld.idx.msk [tilespmem:v13+s2+$0x0], $0xffff;
	v25 =	vadd.s32 $0x800, v6;
	v15 =	vsub.f32 $1.500000000e+00, v15  }
0x3c: {  	v2 =	vadd.s32 $0x1800, v2;
	v31 =	vadd.s32 $0x1800, v11;
	v21 =	vld.idx.msk [tilespmem:v21+s2+$0x0], $0xffff;
	v24 =	vmul.f32 v9, v24  }
0x3d: {  	v8 =	vmul.f32 v8, v17;
	v11 =	vadd.s32 $0x2000, v11;
	v16 =	vld.idx.msk [tilespmem:v16+s2+$0x0], $0xffff;
	v15 =	vmul.f32 v3, v15  }
0x3e: {  	v32 =	vadd.s32 $0x2000, v7;
	v28 =	vadd.s32 $0x1000, v6;
	v30 =	vld.idx.msk [tilespmem:v6+s2+$0x0], $0xffff;
	v24 =	vsub.f32 $1.500000000e+00, v24  }
0x3f: {  	v3 =	vadd.s32 $0x1800, v7;
	v7 =	vsub.f32 v22, v19;
	v19 =	vld.idx.msk [tilespmem:v23+s2+$0x0], $0xffff;
	v4 =	vmul.f32 v15, v4  }
0x40: {  	v0 =	vimm.f32 $0.0e+00;
	v10 =	vmul.f32 v1, v10;
	v9 =	vmul.f32 v9, v24;
	v61 =	vld.idx.msk [tilespmem:v25+s2+$0x0], $0xffff  }
0x41: {  	v17 =	vadd.s32 $0x1800, v6;
	v22 =	vld.idx.msk [tilespmem:v2+s2+$0x0], $0xffff;
	v2 =	vmul.f32 v5, v12;
	v4 =	vmul.f32 v4, v15  }
0x42: {  	v23 =	vadd.s32 $0x2000, v6;
	v12 =	vld.idx.msk [tilespmem:v26+s2+$0x0], $0xffff;
	v5 =	vsub.f32 v16, v13;
	v13 =	vmul.f32 v9, v20  }
0x43: {  	v7 =	vmul.f32 v7, v7;
	v16 =	vld.idx.msk [tilespmem:v28+s2+$0x0], $0xffff;
	v6 =	vmul.f32 $4.000000000e+00, v2;
	v1 =	vsub.f32 $1.500000000e+00, v4  }
0x44: {  	v20 =	vld.idx.msk [tilespmem:v29+s2+$0x0], $0xffff;
	v4 =	vsub.f32 v19, v21;
	v19 =	vmul.f32 v5, v5;
	v21 =	vmul.f32 v13, v9  }
0x45: {  	v11 =	vld.idx.msk [tilespmem:v11+s2+$0x0], $0xffff;
	v62 =	vsub.f32 v27, v30;
	v5 =	vmul.f32 $4.000000000e+00, v8;
	v8 =	vmul.f32 v1, v15  }
0x46: {  	v2 =	vld.idx.msk [tilespmem:v32+s2+$0x0], $0xffff;
	v7 =	vadd.f32 v19, v7;
	v15 =	vmul.f32 v4, v4;
	v19 =	vsub.f32 $1.500000000e+00, v21  }
0x47: {  	s18 =	simm.s32 $0x2850;
	v13 =	vld.idx.msk [tilespmem:v23+s2+$0x0], $0xffff;
	v14 =	vmul.f32 v22, v14;
	v12 =	vsub.f32 v12, v61;
	v10 =	vmul.f32 v8, v10  }
0x48: {  	s17 =	simm.s32 $0x3850;
	v21 =	vmul.f32 v62, v62;
	v4 =	vld [tilespmem:s18+$0xFFFFFFF0];
	v7 =	vadd.f32 v15, v7;
	v9 =	vmul.f32 v19, v9  }
0x49: {  	v12 =	vmul.f32 v12, v12;
	v15 =	vsub.f32 v20, v16;
	v8 =	vld [tilespmem:s17+$0xFFFFFFF0];
	v19 =	vmul.f32 v10, v10  }
0x4a: {  	v1 =	vld [tilespmem:s17+$0x0];
	v20 =	vshra.s32 v7, $0x1;
	v10 =	vmul.f32 $5.000000000e-01, v7;
	v7 =	vmul.f32 v9, v14  }
0x4b: {  	v12 =	vadd.f32 v12, v21;
	v9 =	vld [tilespmem:s18+$0x0];
	v21 =	vmul.f32 v15, v15;
	v23 =	vmul.f32 v19, v19  }
0x4c: {  	v16 =	vld.idx.msk [tilespmem:v63+s2+$0x0], $0xffff;
	v15 =	vadd.s32 $0x1800, v18;
	v14 =	vsub.s32 $0x5F3759DF, v20;
	v20 =	vmul.f32 v7, v7  }
0x4d: {  	v22 =	vadd.s32 $0x800, v4;
	v7 =	vld.idx.msk [tilespmem:v17+s2+$0x0], $0xffff;
	v18 =	vadd.f32 v21, v12;
	v21 =	vmul.f32 v23, v19  }
0x4e: {  	s19 =	simm.s32 $0x4;
	v12 =	vld.idx.msk [tilespmem:v31+s2+$0x0], $0xffff;
	v17 =	vadd.s32 $0x1000, v8;
	v19 =	vadd.s32 $0x800, v8;
	v23 =	vmul.f32 v20, v20  }
.LBB2_2:
0x4f: {  	s19 =	sadd.s32 $0x2, s19;
	v24 =	vadd.s32 $0x1000, v4;
	v25 =	vld.idx.msk [tilespmem:v3+s2+$0x0], $0xffff;
	v3 =	vmul.f32 v14, v10;
	v26 =	vmul.f32 v21, v21  }
0x50: {  	v29 =	vadd.s32 $0x800, v1;
	p1 =	slt.u32 s19, $0xFE;
	v27 =	vld.idx.msk [tilespmem:v4+s2+$0x0], $0xffff;
	v28 =	vadd.s32 $0x800, v9;
	v20 =	vmul.f32 v23, v20  }
0x51: {  	v31 =	vmul.f32 $5.000000000e-01, v18;
	v30 =	vadd.s32 $0x1000, v9;
	v23 =	vld.idx.msk [tilespmem:v8+s2+$0x0], $0xffff;
	v21 =	vsub.f32 v26, v21  }
0x52: {  	v18 =	vshra.s32 v18, $0x1;
	v13 =	vmul.f32 v16, v13;
	v26 =	vadd.s32 $0x1000, v1;
	v15 =	vld.idx.msk [tilespmem:v15+s2+$0x0], $0xffff  }
0x53: {  	v32 =	vadd.s32 $0x1800, v4;
	v18 =	vsub.s32 $0x5F3759DF, v18;
	v3 =	vmul.f32 v14, v3;
	v16 =	vld.idx.msk [tilespmem:v22+s2+$0x0], $0xffff  }
0x54: {  	v33 =	vadd.s32 $0x1800, v9;
	v34 =	vmul.f32 v18, v31;
	v35 =	vmul.f32 v20, v20;
	v22 =	vld.idx.msk [tilespmem:v1+s2+$0x0], $0xffff  }
0x55: {  	v36 =	vadd.s32 $0x2000, v8;
	v38 =	vsub.f32 $1.500000000e+00, v3;
	v6 =	vmul.f32 v21, v6;
	v37 =	vld.idx.msk [tilespmem:v9+s2+$0x0], $0xffff  }
0x56: {  	v3 =	vadd.s32 $0x1800, v8;
	v8 =	vmul.f32 v18, v34;
	v20 =	vsub.f32 v35, v20;
	v19 =	vld.idx.msk [tilespmem:v19+s2+$0x0], $0xffff  }
0x57: {  	v14 =	vmul.f32 v14, v38;
	v0 =	vadd.f32 v6, v0;
	v23 =	vsub.f32 v23, v27;
	v21 =	vld.idx.msk [tilespmem:v24+s2+$0x0], $0xffff  }
0x58: {  	v9 =	vadd.s32 $0x2000, v9;
	v6 =	vsub.f32 $1.500000000e+00, v8;
	v5 =	vmul.f32 v20, v5;
	v17 =	vld.idx.msk [tilespmem:v17+s2+$0x0], $0xffff  }
0x59: {  	v2 =	vmul.f32 v2, v11;
	v20 =	vadd.s32 $0x2000, v4;
	v8 =	vmul.f32 v14, v10;
	v4 =	vld.idx.msk [tilespmem:v29+s2+$0x0], $0xffff  }
0x5a: {  	v18 =	vmul.f32 v18, v6;
	v10 =	vmul.f32 v23, v23;
	v0 =	vadd.f32 v5, v0;
	v11 =	vld.idx.msk [tilespmem:v30+s2+$0x0], $0xffff  }
0x5b: {  	v6 =	vmul.f32 $4.000000000e+00, v2;
	v5 =	vmul.f32 v8, v14;
	v22 =	vsub.f32 v22, v37;
	v23 =	vld.idx.msk [tilespmem:v28+s2+$0x0], $0xffff  }
0x5c: {  	v12 =	vmul.f32 v25, v12;
	v8 =	vsub.f32 v19, v16;
	v19 =	vmul.f32 v18, v31;
	v16 =	vld.idx.msk [tilespmem:v26+s2+$0x0], $0xffff  }
0x5d: {  	v24 =	vsub.f32 $1.500000000e+00, v5;
	v5 =	vmul.f32 $4.000000000e+00, v13;
	v2 =	vld.idx.msk [tilespmem:v36+s2+$0x0], $0xffff  }
0x5e: {  	v17 =	vsub.f32 v17, v21;
	v8 =	vmul.f32 v8, v8;
	v13 =	vld.idx.msk [tilespmem:v9+s2+$0x0], $0xffff;
	v9 =	vmul.f32 v19, v18  }
0x5f: {  	v7 =	vmul.f32 v15, v7;
	v14 =	vmul.f32 v24, v14;
	v19 =	vadd.s32 $0x2000, v1  }
0x60: {  	s17 =	sadd.s32 $0x20, s17;
	v8 =	vadd.f32 v8, v10;
	v10 =	vmul.f32 v17, v17;
	v9 =	vsub.f32 $1.500000000e+00, v9  }
0x61: {  	s18 =	sadd.s32 $0x20, s18;
	v21 =	vmul.f32 v22, v22;
	v12 =	vmul.f32 v14, v12;
	v15 =	vsub.f32 v4, v23;
	v17 =	vld [tilespmem:s17+$0x0]  }
0x62: {  	v10 =	vadd.f32 v10, v8;
	v11 =	vsub.f32 v16, v11;
	v4 =	vld [tilespmem:s18+$0xFFFFFFF0];
	v9 =	vmul.f32 v9, v18  }
0x63: {  	v12 =	vmul.f32 v12, v12;
	v14 =	vmul.f32 v15, v15;
	v8 =	vld [tilespmem:s17+$0xFFFFFFF0]  }
.Ltmp0:
0x64: {  	v15 =	vshra.s32 v10, $0x1;
	v10 =	vmul.f32 $5.000000000e-01, v10;
	v16 =	vld.idx.msk [tilespmem:v19+s2+$0x0], $0xffff;
	v7 =	vmul.f32 v9, v7;
	(pc) =	sbr.rel @p1 .LBB2_2-.Ltmp0, $4  }
0x65: {  	v18 =	vadd.f32 v14, v21;
	v19 =	vmul.f32 v11, v11;
	v21 =	vmul.f32 v12, v12;
	v9 =	vld [tilespmem:s18+$0x0]  }
0x66: {  	v14 =	vsub.s32 $0x5F3759DF, v15;
	v15 =	vadd.s32 $0x1800, v1;
	v11 =	vld.idx.msk [tilespmem:v20+s2+$0x0], $0xffff;
	v20 =	vmul.f32 v7, v7;
	v1 =	vmovc v17  }
0x67: {  	v18 =	vadd.f32 v19, v18;
	v21 =	vmul.f32 v21, v12;
	v22 =	vadd.s32 $0x800, v4;
	v7 =	vld.idx.msk [tilespmem:v33+s2+$0x0], $0xffff  }
0x68: {  	v19 =	vadd.s32 $0x800, v8;
	v17 =	vadd.s32 $0x1000, v8;
	v12 =	vld.idx.msk [tilespmem:v32+s2+$0x0], $0xffff;
	v23 =	vmul.f32 v20, v20  }
0x69: {  	_ =	sdelay $0x3  }
0x6a: {  	v24 =	vld.idx.msk [tilespmem:v4+s2+$0x0], $0xffff  }
0x6b: {  	v26 =	vld.idx.msk [tilespmem:v8+s2+$0x0], $0xffff  }
0x6c: {  	v25 =	vadd.s32 $0x1000, v4;
	v22 =	vld.idx.msk [tilespmem:v22+s2+$0x0], $0xffff  }
0x6d: {  	v27 =	vadd.s32 $0x800, v1;
	v28 =	vld.idx.msk [tilespmem:v1+s2+$0x0], $0xffff  }
0x6e: {  	v19 =	vld.idx.msk [tilespmem:v19+s2+$0x0], $0xffff;
	v29 =	vadd.s32 $0x800, v9  }
0x6f: {  	v32 =	vadd.s32 $0x1000, v1;
	v17 =	vld.idx.msk [tilespmem:v17+s2+$0x0], $0xffff  }
0x70: {  	v30 =	vld.idx.msk [tilespmem:v9+s2+$0x0], $0xffff;
	v31 =	vadd.s32 $0x1000, v9  }
0x71: {  	v25 =	vld.idx.msk [tilespmem:v25+s2+$0x0], $0xffff  }
0x72: {  	v33 =	vmul.f32 v21, v21;
	v27 =	vld.idx.msk [tilespmem:v27+s2+$0x0], $0xffff  }
0x73: {  	v34 =	vmul.f32 v14, v10;
	v45 =	vmul.f32 $5.000000000e-01, v18;
	v29 =	vld.idx.msk [tilespmem:v29+s2+$0x0], $0xffff  }
0x74: {  	v47 =	vshra.s32 v18, $0x1;
	v13 =	vmul.f32 v16, v13;
	v20 =	vmul.f32 v23, v20;
	v46 =	vld.idx.msk [tilespmem:v32+s2+$0x0], $0xffff  }
0x75: {  	v18 =	vsub.s32 $0x5F3759DF, v47;
	v24 =	vsub.f32 v26, v24;
	v19 =	vsub.f32 v19, v22;
	v44 =	vld.idx.msk [tilespmem:v31+s2+$0x0], $0xffff  }
0x76: {  	v62 =	vadd.s32 $0x1800, v9;
	v21 =	vsub.f32 v33, v21;
	v49 =	vmul.f32 v14, v34  }
0x77: {  	v50 =	vsub.f32 v28, v30;
	v24 =	vmul.f32 v24, v24;
	v19 =	vmul.f32 v19, v19  }
0x78: {  	v53 =	vmul.f32 v18, v45;
	v17 =	vsub.f32 v17, v25;
	v27 =	vsub.f32 v27, v29  }
0x79: {  	v2 =	vmul.f32 v2, v11;
	v51 =	vmul.f32 v50, v50;
	v19 =	vadd.f32 v19, v24  }
0x7a: {  	v3 =	vld.idx.msk [tilespmem:v3+s2+$0x0], $0xffff;
	v22 =	vsub.f32 v46, v44;
	v17 =	vmul.f32 v17, v17;
	v52 =	vmul.f32 v27, v27  }
0x7b: {  	v42 =	vadd.s32 $0x2000, v9;
	v54 =	vmul.f32 v20, v20;
	v6 =	vmul.f32 v21, v6  }
0x7c: {  	v22 =	vmul.f32 v22, v22;
	v17 =	vadd.f32 v17, v19;
	v55 =	vadd.f32 v52, v51  }
0x7d: {  	v47 =	vadd.s32 $0x2000, v1;
	v56 =	vmul.f32 v18, v53;
	v2 =	vmul.f32 $4.000000000e+00, v2  }
0x7e: {  	v57 =	vshra.s32 v17, $0x1;
	v17 =	vmul.f32 $5.000000000e-01, v17;
	v19 =	vadd.f32 v22, v55  }
0x7f: {  	v3 =	vmul.f32 v3, v12;
	v25 =	vsub.f32 $1.500000000e+00, v49;
	v59 =	vsub.s32 $0x5F3759DF, v57  }
0x80: {  	v23 =	vmul.f32 v59, v17;
	v60 =	vmul.f32 $5.000000000e-01, v19;
	v19 =	vshra.s32 v19, $0x1  }
0x81: {  	v15 =	vld.idx.msk [tilespmem:v15+s2+$0x0], $0xffff;
	v21 =	vsub.f32 $1.500000000e+00, v56;
	v58 =	vmul.f32 v14, v25;
	v19 =	vsub.s32 $0x5F3759DF, v19  }
0x82: {  	v33 =	vadd.s32 $0x1800, v1;
	v23 =	vmul.f32 v59, v23;
	v63 =	vmul.f32 v19, v60  }
0x83: {  	v48 =	vadd.s32 $0x1800, v4;
	v9 =	vld.idx.msk [tilespmem:v42+s2+$0x0], $0xffff;
	v18 =	vmul.f32 v18, v21;
	v61 =	vmul.f32 v58, v10  }
0x84: {  	v28 =	vadd.s32 $0x1800, v8;
	v1 =	vld.idx.msk [tilespmem:v47+s2+$0x0], $0xffff;
	v29 =	vsub.f32 $1.500000000e+00, v23;
	v30 =	vmul.f32 v19, v63  }
0x85: {  	v20 =	vsub.f32 v54, v20;
	v32 =	vmul.f32 v18, v45;
	v10 =	vmul.f32 v61, v58  }
0x86: {  	v7 =	vmul.f32 v15, v7;
	v36 =	vld.idx.msk [tilespmem:v62+s2+$0x0], $0xffff;
	v11 =	vmul.f32 v59, v29;
	v34 =	vsub.f32 $1.500000000e+00, v30  }
0x87: {  	v5 =	vmul.f32 v20, v5;
	v40 =	vld.idx.msk [tilespmem:v33+s2+$0x0], $0xffff;
	v35 =	vmul.f32 v32, v18;
	v10 =	vsub.f32 $1.500000000e+00, v10  }
0x88: {  	v16 =	vld.idx.msk [tilespmem:v48+s2+$0x0], $0xffff;
	v17 =	vmul.f32 v11, v17;
	v12 =	vmul.f32 v19, v34  }
0x89: {  	v38 =	vld.idx.msk [tilespmem:v28+s2+$0x0], $0xffff;
	v1 =	vmul.f32 v1, v9;
	v37 =	vsub.f32 $1.500000000e+00, v35;
	v10 =	vmul.f32 v10, v58  }
0x8a: {  	v17 =	vmul.f32 v17, v11;
	v41 =	vmul.f32 v12, v60  }
0x8b: {  	v39 =	vadd.s32 $0x2000, v8;
	v15 =	vmul.f32 v37, v18;
	v3 =	vmul.f32 v10, v3  }
0x8c: {  	v14 =	vmul.f32 v40, v36;
	v17 =	vsub.f32 $1.500000000e+00, v17;
	v43 =	vmul.f32 v41, v12  }
0x8d: {  	v44 =	vadd.s32 $0x2000, v4;
	v7 =	vmul.f32 v15, v7;
	v3 =	vmul.f32 v3, v3  }
0x8e: {  	v10 =	vmul.f32 v38, v16;
	v11 =	vmul.f32 v17, v11;
	v46 =	vsub.f32 $1.500000000e+00, v43  }
0x8f: {  	v7 =	vmul.f32 v7, v7;
	v45 =	vmul.f32 v3, v3  }
0x90: {  	v10 =	vmul.f32 v11, v10;
	v48 =	vmul.f32 v46, v12  }
0x91: {  	v8 =	vld.idx.msk [tilespmem:v39+s2+$0x0], $0xffff;
	v49 =	vmul.f32 v7, v7;
	v3 =	vmul.f32 v45, v3  }
0x92: {  	v4 =	vld.idx.msk [tilespmem:v44+s2+$0x0], $0xffff;
	v10 =	vmul.f32 v10, v10;
	v11 =	vmul.f32 v48, v14  }
0x93: {  	v7 =	vmul.f32 v49, v7;
	v50 =	vmul.f32 v3, v3  }
0x94: {  	v51 =	vmul.f32 v10, v10;
	v11 =	vmul.f32 v11, v11  }
0x95: {  	v52 =	vmul.f32 $4.000000000e+00, v13;
	v53 =	vmul.f32 v7, v7;
	v3 =	vsub.f32 v50, v3  }
0x96: {  	v0 =	vadd.f32 v6, v0;
	v54 =	vmul.f32 v51, v10;
	v55 =	vmul.f32 v11, v11  }
0x97: {  	v4 =	vmul.f32 v8, v4;
	v56 =	vsub.f32 v53, v7;
	v2 =	vmul.f32 v3, v2  }
0x98: {  	v0 =	vadd.f32 v5, v0;
	v57 =	vmul.f32 v54, v54;
	v6 =	vmul.f32 v55, v11  }
0x99: {  	v59 =	vmul.f32 $4.000000000e+00, v4;
	v58 =	vmul.f32 v56, v52  }
0x9a: {  	v0 =	vadd.f32 v2, v0;
	v60 =	vsub.f32 v57, v54;
	v61 =	vmul.f32 v6, v6  }
0x9b: {  	v1 =	vmul.f32 $4.000000000e+00, v1  }
0x9c: {  	v0 =	vadd.f32 v58, v0;
	v62 =	vmul.f32 v60, v59;
	v63 =	vsub.f32 v61, v6;
	_ =	sdelay $0x1  }
0x9d: {  	v0 =	vadd.f32 v62, v0;
	v1 =	vmul.f32 v63, v1;
	_ =	sdelay $0x1  }
0x9e: {  	v0 =	vadd.f32 v1, v0;
	_ =	sdelay $0x1  }
0x9f: {  	[tilespmem:$0x4800] =	vst v0  }
0xa0: {  	[spmem:s6] =	stream.linear.scatter [tilespmem:s14], [sflag:$0x4], $0x10, $0x38;
	[tilespmem:$0x4A10] =	vst v63  }
0xa1: {  	_ =	swait.ge [sflag:s15], $0x10  }
0xa2: {  	[sflag:s15] =	ssyncset.done $0x0  }
0xa3: {  	[sflag:s15] =	ssyncadd.s32 $0xFFFFFFF0  }
0xa4: {  	s17 =	simm.s32 @!p0 $0x4890;
	[bflag:$0x0] =	sbarrier.arrive $0xFFFF  }
0xa5: {  	[tilespmem:s17], [sflag:$0x4] =	stream.linear.gather @!p0 [spmem:s1], $0x100, $0x38;
	[tilespmem:$0x4A10] =	vst v63  }
0xa6: {  	s17 =	simm.s32 @!p0 $0x4  }
0xa7: {  	_ =	swait.ge @!p0 [sflag:s17], $0x100  }
0xa8: {  	[sflag:s17] =	ssyncset.done @!p0 $0x0  }
0xa9: {  	[sflag:s17] =	ssyncadd.s32 @!p0 $0xFFFFFF00  }
0xaa: {  	v0 =	vld @!p0 [tilespmem:$0x4890]  }
0xab: {  	v1 =	vld @!p0 [tilespmem:$0x48A0]  }
0xac: {  	v2 =	vld @!p0 [tilespmem:$0x48B0]  }
0xad: {  	v3 =	vld @!p0 [tilespmem:$0x48C0]  }
0xae: {  	v4 =	vld @!p0 [tilespmem:$0x48D0]  }
0xaf: {  	v5 =	vld @!p0 [tilespmem:$0x48E0]  }
0xb0: {  	v6 =	vld @!p0 [tilespmem:$0x48F0]  }
0xb1: {  	v7 =	vld @!p0 [tilespmem:$0x4900]  }
0xb2: {  	v8 =	vld @!p0 [tilespmem:$0x4910]  }
0xb3: {  	v9 =	vld @!p0 [tilespmem:$0x4920]  }
0xb4: {  	v10 =	vld @!p0 [tilespmem:$0x4950]  }
0xb5: {  	v11 =	vld @!p0 [tilespmem:$0x4960]  }
0xb6: {  	v12 =	vld @!p0 [tilespmem:$0x4930]  }
0xb7: {  	v0 =	vadd.f32 @!p0 v1, v0;
	v1 =	vld @!p0 [tilespmem:$0x4970]  }
0xb8: {  	v4 =	vadd.f32 @!p0 v5, v4;
	v5 =	vld @!p0 [tilespmem:$0x4940]  }
0xb9: {  	v0 =	vadd.f32 @!p0 v2, v0;
	v2 =	vadd.f32 @!p0 v9, v8;
	v8 =	vld @!p0 [tilespmem:$0x4980]  }
0xba: {  	v4 =	vadd.f32 @!p0 v6, v4;
	v6 =	vadd.f32 @!p0 v11, v10  }
0xbb: {  	v0 =	vadd.f32 @!p0 v3, v0;
	v2 =	vadd.f32 @!p0 v12, v2  }
0xbc: {  	v3 =	vadd.f32 @!p0 v7, v4;
	v1 =	vadd.f32 @!p0 v1, v6  }
0xbd: {  	(xrf2) =	vadd.scan.msk.f32 @!p0 $0xffff, v0;
	v0 =	vadd.f32 @!p0 v5, v2  }
0xbe: {  	(xrf2) =	vadd.scan.msk.f32 @!p0 $0xffff, v3;
	v1 =	vadd.f32 @!p0 v8, v1  }
0xbf: {  	(xrf2) =	vadd.scan.msk.f32 @!p0 $0xffff, v0  }
0xc0: {  	(xrf2) =	vadd.scan.msk.f32 @!p0 $0xffff, v1;
	_ =	sdelay $0x6  }
0xc1: {  	v0, _, _ =	vpop @!p0 (xrf2)  }
0xc2: {  	v1, _, _ =	vpop @!p0 (xrf2);
	v0 =	vbroadcast @!p0 v0, $0xF  }
0xc3: {  	v2, _, _ =	vpop @!p0 (xrf2);
	v1 =	vbroadcast @!p0 v1, $0xF  }
0xc4: {  	v0 =	vnsel @!p0 vm0, $0x0, v0;
	v2 =	vbroadcast @!p0 v2, $0xF;
	v3, _, _ =	vpop @!p0 (xrf2)  }
0xc5: {  	v0 =	vsel @!p0 vm1, v0, v1;
	v1 =	vbroadcast @!p0 v3, $0xF  }
0xc6: {  	s16 =	sadd.s32 $0x1, s16;
	v0 =	vsel @!p0 vm2, v0, v2  }
0xc7: {  	p1 =	sne.s32 s16, s8;
	v0 =	vsel @!p0 vm3, v0, v1  }
.Ltmp1:
0xc8: {  	s18 =	simm.s32 @!p0 $0x0;
	s19 =	simm.s32 @!p0 $0x4990;
	[tilespmem:$0x4990] =	vst @!p0 v0;
	(pc) =	sbr.rel @p1 .LBB2_1-.Ltmp1, $4  }
0xc9: {  	[hbm4b:s7+s18] =	stream.linear.scatter @!p0 [tilespmem:s19], [sflag:$0x4], $0x80, $0x38;
	[tilespmem:$0x4A10] =	vst v63  }
0xca: {  	_ =	swait.ge @!p0 [sflag:s17], $0x80  }
0xcb: {  	[sflag:s17] =	ssyncset.done @!p0 $0x0  }
0xcc: {  	[sflag:s17] =	ssyncadd.s32 @!p0 $0xFFFFFF80  }
0xcd: {  	_ =	sfence.sel $0x180000  }
0xce: {  	[bflag:$0x0] =	sbarrier.arrive $0xFFFF  }
0xcf: {  	_ =	strace $0x90000047  }
0xd0: {  	s0 =	sadd.s32 @!p0 $0x100000, s0;
	[bflag:$0x2] =	sbarrier.arrive $0xFFFF  }
0xd1: {  	[sflag:s0] =	ssyncadd.tile.s32 @!p0 $0x1;
	_ =	shalt  }
.Lfunc_end2:
_tile_overlayer_lowered:
.L_overlay_start_2:
0xd2: {  	(tag) =	ssettag $0x2  }
0xd3: {  	s0 =	rddreg [dreg:$0x0];
	s2 =	stileid.u32  }
0xd4: {  	s1 =	rddreg [dreg:$0x1];
	p0 =	sne.s32 s2, $0x0  }
0xd5: {  	s3 =	rddreg [dreg:$0x2];
	[bflag:$0x3] =	sbarrier.arrive $0xFFFF;
	s2 =	simm.s32 @!p0 $0x1C04  }
0xd6: {  	[timem:s3], [sflag:s2] =	dma.local @!p0 [hbm:s0], s1  }
0xd7: {  	s0 =	simm.s32 @!p0 $0x4  }
0xd8: {  	_ =	swait.ge @!p0 [sflag:s0], s1  }
0xd9: {  	s1 =	ssub.s32 @!p0 $0x0, s1;
	[sflag:s0] =	ssyncset.done @!p0 $0x0  }
0xda: {  	[sflag:s0] =	ssyncadd.s32 @!p0 s1  }
0xdb: {  	[bflag:$0x3] =	sbarrier.arrive $0xFFFF  }
0xdc: {  	_ =	shalt  }

</sc_bundles>
